<compile_context>
chip_gen: v7x
topology: tpu7x:2x2x1
jax: 0.10.2.dev20260603
libtpu: 0.0.44.dev20260713+nightly
codegen_flags: <defaults>
</compile_context>

<pallas_src>
import functools

import jax
import jax.numpy as jnp
from jax import lax
from jax.experimental import pallas as pl
from jax.experimental.pallas import tpu as pltpu
from jax.experimental.pallas import tpu_sc as plsc

N = 10000
K = 16
KE = 8
D = 128
TW = 128

NC, NS = 2, 16
NW = NC * NS
TOTAL = N * K
PER_W = TOTAL // NW
CHUNK = 40
NCHUNK = PER_W // CHUNK
GROUP = 5
NGROUP = NCHUNK // GROUP
PER_WP = PER_W + 8
NVEC = PER_WP // 16
NPADM = N + 8

B = 200
GRID = N // B
BK = B * K
BE = B * KE


def _sc_gather(table, idx, maskt):
    mesh = plsc.VectorSubcoreMesh(core_axis_name="c", subcore_axis_name="s")

    @functools.partial(
        pl.kernel,
        mesh=mesh,
        out_type=[
            jax.ShapeDtypeStruct((TOTAL, TW), jnp.float32),
            jax.ShapeDtypeStruct((TOTAL,), jnp.float32),
        ],
        scratch_types=[
            pltpu.VMEM((NCHUNK, CHUNK), jnp.int32),
            pltpu.VMEM((PER_W,), jnp.float32),
        ] + [pltpu.VMEM((CHUNK, TW), jnp.float32) for _ in range(GROUP)] + [
            pltpu.SemaphoreType.DMA,
            pltpu.SemaphoreType.DMA,
            pltpu.SemaphoreType.DMA,
        ],
    )
    def gk(table_hbm, idx_hbm, maskt_hbm, out_hbm, mout_hbm,
           idx_v, mout_v, *rest):
        bufs = rest[:GROUP]
        sem_g, sem_w, sem_m = rest[GROUP], rest[GROUP + 1], rest[GROUP + 2]
        wid = lax.axis_index("s") * NC + lax.axis_index("c")
        pltpu.sync_copy(idx_hbm.at[wid], idx_v)
        base = wid * PER_W

        def body(g, carry):
            j0 = g * GROUP
            gathers = [
                pltpu.async_copy(table_hbm.at[idx_v.at[j0 + b]], bufs[b], sem_g)
                for b in range(GROUP)
            ]
            mgathers = [
                pltpu.async_copy(
                    maskt_hbm.at[idx_v.at[j0 + b]],
                    mout_v.at[pl.ds((j0 + b) * CHUNK, CHUNK)], sem_m)
                for b in range(GROUP)
            ]
            writes = []
            for b in range(GROUP):
                gathers[b].wait()
                writes.append(pltpu.async_copy(
                    bufs[b], out_hbm.at[pl.ds(base + (j0 + b) * CHUNK, CHUNK)],
                    sem_w))
            for m in mgathers:
                m.wait()
            for w in writes:
                w.wait()
            return carry

        lax.fori_loop(0, NGROUP, body, 0)
        pltpu.sync_copy(mout_v, mout_hbm.at[pl.ds(base, PER_W)])

    return gk(table, idx, maskt)


def _swish(x):
    return x * (1.0 / (1.0 + jnp.exp(-x)))


def _mm(a, b):
    return jax.lax.dot_general(
        a, b, (((1,), (0,)), ((), ())),
        precision=jax.lax.Precision.DEFAULT,
        preferred_element_type=jnp.float32,
    )


def _ln(x, scale, offset):
    mu = jnp.mean(x, axis=-1, keepdims=True)
    d = x - mu
    var = jnp.mean(d * d, axis=-1, keepdims=True)
    return d * jax.lax.rsqrt(var + 1e-5) * scale + offset


def _tc_body(local_ref, pair_ref, extra_ref, gath_ref, pmask_ref, emask_ref,
             w1p, w1c, w1n, w1e, wo1,
             w2p, w2c, w2n, w2e, wo2,
             w3, wo3, lnp,
             out_local, out_pair, out_extra):
    lb = local_ref[...]
    pr = pair_ref[...].reshape(BK, D)
    ex = extra_ref[...].reshape(BE, D)
    g = gath_ref[...].reshape(BK, D)
    pm = pmask_ref[...]
    em = emask_ref[...]
    w1p, w1c, w1n, w1e, wo1 = w1p[...], w1c[...], w1n[...], w1e[...], wo1[...]
    w2p, w2c, w2n, w2e, wo2 = w2p[...], w2c[...], w2n[...], w2e[...], wo2[...]
    w3, wo3, lnp = w3[...], wo3[...], lnp[...]

    ln1s, ln1o = lnp[0:1, :], lnp[1:2, :]
    ln3s, ln3o = lnp[2:3, :], lnp[3:4, :]
    ln4s, ln4o = lnp[4:5, :], lnp[5:6, :]

    cc1 = _mm(lb, w1c)
    x1 = (_mm(pr, w1p) + _mm(g, w1n)).reshape(B, K, 2 * D) \
        + lax.broadcast_in_dim(cc1, (B, K, 2 * D), (0, 2))
    h1 = (_swish(x1[:, :, :D]) * x1[:, :, D:]).reshape(BK, D)
    pair_new = _ln(pr + _mm(h1, wo1), ln1s, ln1o)

    x1e = _mm(ex, w1e).reshape(B, KE, 2 * D) \
        + lax.broadcast_in_dim(cc1, (B, KE, 2 * D), (0, 2))
    h1e = (_swish(x1e[:, :, :D]) * x1e[:, :, D:]).reshape(BE, D)
    extra_new = _ln(ex + _mm(h1e, wo1), ln1s, ln1o)

    cc2 = _mm(lb, w2c)
    x2 = (_mm(pair_new, w2p) + _mm(g, w2n)).reshape(B, K, 2 * D) \
        + lax.broadcast_in_dim(cc2, (B, K, 2 * D), (0, 2))
    h2 = _swish(x2[:, :, :D]) * x2[:, :, D:]
    hsum = jnp.sum(h2 * pm, axis=1)

    x2e = _mm(extra_new, w2e).reshape(B, KE, 2 * D) \
        + lax.broadcast_in_dim(cc2, (B, KE, 2 * D), (0, 2))
    h2e = _swish(x2e[:, :, :D]) * x2e[:, :, D:]
    hsum = hsum + jnp.sum(h2e * em, axis=1)

    msg = _mm(hsum, wo2) * (1.0 / (K + KE))
    loc2 = _ln(lb + msg, ln3s, ln3o)

    x3 = _mm(loc2, w3)
    h3 = _swish(x3[:, :D]) * x3[:, D:]
    loc3 = _ln(loc2 + _mm(h3, wo3), ln4s, ln4o)

    out_local[...] = loc3
    out_pair[...] = pair_new.reshape(B, K, D)
    out_extra[...] = extra_new.reshape(B, KE, D)


def kernel(local, pair, pos, extra_pos, extra_pair, extra_pair_mask, neighbours, mask,
           W_e1, Wg1, Wv1, Wo1, ln1_scale, ln1_offset,
           W_e2, Wg2, Wv2, Wo2, ln3_scale, ln3_offset,
           Wg3, Wv3, Wo3, ln4_scale, ln4_offset):
    f32 = jnp.float32

    table = jnp.concatenate([local, local[-1:]], axis=0)
    idx = jnp.where(neighbours < 0, N, neighbours).astype(jnp.int32)
    idx3 = idx.reshape(NW, NCHUNK, CHUNK)
    maskt = jnp.concatenate([mask, jnp.zeros((NPADM - N,), f32)])

    gathered, maskvals = _sc_gather(table, idx3, maskt)
    gathered = gathered.reshape(N, K, TW)
    pmask3 = maskvals.reshape(N, K, 1)

    def split3(w):
        return w[:D], w[D:2 * D], w[2 * D:]

    A1g, B1g, C1g = split3(Wg1)
    A1v, B1v, C1v = split3(Wv1)
    A2g, B2g, C2g = split3(Wg2)
    A2v, B2v, C2v = split3(Wv2)
    w1p = jnp.concatenate([A1g, A1v], axis=1)
    w1c = jnp.concatenate([B1g, B1v], axis=1)
    w1n = jnp.concatenate([C1g, C1v], axis=1)
    w1e = jnp.concatenate([A1g + W_e1 @ C1g, A1v + W_e1 @ C1v], axis=1)
    w2p = jnp.concatenate([A2g, A2v], axis=1)
    w2c = jnp.concatenate([B2g, B2v], axis=1)
    w2n = jnp.concatenate([C2g, C2v], axis=1)
    w2e = jnp.concatenate([A2g + W_e2 @ C2g, A2v + W_e2 @ C2v], axis=1)
    w3 = jnp.concatenate([Wg3, Wv3], axis=1)
    lnp = jnp.stack([ln1_scale, ln1_offset, ln3_scale, ln3_offset,
                     ln4_scale, ln4_offset])

    emask3 = extra_pair_mask.astype(f32)[:, :, None]

    def blk(shape):
        return pl.BlockSpec(shape, lambda i: (i,) + (0,) * (len(shape) - 1))

    def full(shape):
        return pl.BlockSpec(shape, lambda i: (0,) * len(shape))

    out_local, out_pair, out_extra = pl.pallas_call(
        _tc_body,
        grid=(GRID,),
        in_specs=[
            blk((B, D)),
            blk((B, K, D)),
            blk((B, KE, D)),
            blk((B, K, TW)),
            blk((B, K, 1)),
            blk((B, KE, 1)),
            full((D, 2 * D)),
            full((D, 2 * D)),
            full((D, 2 * D)),
            full((D, 2 * D)),
            full((D, D)),
            full((D, 2 * D)),
            full((D, 2 * D)),
            full((D, 2 * D)),
            full((D, 2 * D)),
            full((D, D)),
            full((D, 2 * D)),
            full((D, D)),
            full((6, D)),
        ],
        out_specs=[
            blk((B, D)),
            blk((B, K, D)),
            blk((B, KE, D)),
        ],
        out_shape=[
            jax.ShapeDtypeStruct((N, D), f32),
            jax.ShapeDtypeStruct((N, K, D), f32),
            jax.ShapeDtypeStruct((N, KE, D), f32),
        ],
        compiler_params=pltpu.CompilerParams(
            dimension_semantics=("arbitrary",),
        ),
    )(local, pair, extra_pair, gathered, pmask3, emask3,
      w1p, w1c, w1n, w1e, Wo1, w2p, w2c, w2n, w2e, Wo2, w3, Wo3, lnp)

    return (out_local, out_pair, out_extra)

# --- scband reference (transcript-rebuilt; emitter-appended) ---
"""Pipeline reference for scband-mpnnblock-65335042506810 (READ-ONLY COPY).

The authoritative reference and input builder live on the scoring server;
editing this copy changes nothing except your own understanding.
"""

import jax, jax.numpy as jnp
import numpy as np

N = 10000
K = 16
KE = 8
D = 128
FACTOR = 1
H = D * FACTOR


def _lin(key, fi, fo):
    return (jax.random.normal(key, (fi, fo), jnp.float32) / np.sqrt(fi)).astype(jnp.float32)


def _layer_norm(x, scale, offset):
    mu = jnp.mean(x, axis=-1, keepdims=True)
    var = jnp.var(x, axis=-1, keepdims=True)
    return (x - mu) / jnp.sqrt(var + 1e-5) * scale + offset


def _gated_mlp(x, wg, wv, wo):
    return (jax.nn.swish(x @ wg) * (x @ wv)) @ wo


def setup_inputs(seed: int = 0):
    key = jax.random.key(seed)
    ks = jax.random.split(key, 32)
    local = jax.random.normal(ks[0], (N, D), jnp.float32)
    pair = jax.random.normal(ks[1], (N, K, D), jnp.float32)
    pos = jax.random.normal(ks[2], (N, 3), jnp.float32)
    extra_pos = jax.random.normal(ks[3], (N, KE, 3), jnp.float32)
    extra_pair = jax.random.normal(ks[4], (N, KE, D), jnp.float32)
    extra_pair_mask = jax.random.randint(ks[5], (N, KE), 0, 2) > 0
    neighbours = jax.random.randint(ks[6], (N, K), 0, N)
    neighbours = jnp.where(jax.random.uniform(ks[7], (N, K)) < 0.05, -1, neighbours)
    mask = (jax.random.uniform(ks[8], (N,)) > 0.1).astype(jnp.float32)
    F3 = 3 * D
    params = dict(
        W_e1=_lin(ks[9], D, D),
        Wg1=_lin(ks[10], F3, H), Wv1=_lin(ks[11], F3, H), Wo1=_lin(ks[12], H, D),
        ln1_scale=jnp.ones((D,), jnp.float32), ln1_offset=jnp.zeros((D,), jnp.float32),
        W_e2=_lin(ks[13], D, D),
        Wg2=_lin(ks[14], F3, H), Wv2=_lin(ks[15], F3, H), Wo2=_lin(ks[16], H, D),
        ln3_scale=jnp.ones((D,), jnp.float32), ln3_offset=jnp.zeros((D,), jnp.float32),
        Wg3=_lin(ks[17], D, H), Wv3=_lin(ks[18], D, H), Wo3=_lin(ks[19], H, D),
        ln4_scale=jnp.ones((D,), jnp.float32), ln4_offset=jnp.zeros((D,), jnp.float32),
    )
    out = dict(local=local, pair=pair, pos=pos, extra_pos=extra_pos, extra_pair=extra_pair,
               extra_pair_mask=extra_pair_mask, neighbours=neighbours, mask=mask)
    out.update(params)
    return out


def reference(local, pair, pos, extra_pos, extra_pair, extra_pair_mask, neighbours, mask,
              W_e1, Wg1, Wv1, Wo1, ln1_scale, ln1_offset,
              W_e2, Wg2, Wv2, Wo2, ln3_scale, ln3_offset,
              Wg3, Wv3, Wo3, ln4_scale, ln4_offset):
    # drop() is identity because config.eval=True (is_training=False)
    pair_mask = ((neighbours != -1) * mask[neighbours]) > 0
    full_pair_mask = jnp.concatenate((pair_mask, extra_pair_mask), axis=1)
    full_pair = jnp.concatenate((pair, extra_pair), axis=1)
    full_neighbours = jnp.concatenate((local[neighbours], extra_pair @ W_e1), axis=1)
    full_center = jnp.broadcast_to(local[:, None, :], full_pair.shape)
    pair_features = jnp.concatenate([full_pair, full_center, full_neighbours], axis=-1)
    full_pair_update = _gated_mlp(pair_features, Wg1, Wv1, Wo1)
    full_pair = _layer_norm(full_pair + full_pair_update, ln1_scale, ln1_offset)
    pair = full_pair[:, :neighbours.shape[1]]
    extra_pair = full_pair[:, neighbours.shape[1]:]
    full_pair = jnp.concatenate((pair, extra_pair), axis=1)
    full_neighbours = jnp.concatenate((local[neighbours], extra_pair @ W_e2), axis=1)
    full_center = jnp.broadcast_to(local[:, None, :], full_pair.shape)
    pair_features = jnp.concatenate([full_pair, full_center, full_neighbours], axis=-1)
    message = _gated_mlp(pair_features, Wg2, Wv2, Wo2)
    message = jnp.where(full_pair_mask[..., None], message, 0).sum(axis=1) / full_pair.shape[1]
    local = _layer_norm(local + message, ln3_scale, ln3_offset)
    local_update = _gated_mlp(local, Wg3, Wv3, Wo3)
    local = _layer_norm(local + local_update, ln4_scale, ln4_offset)
    return (local, pair, extra_pair)

if __name__ == "__main__":
    import jax
    _d = setup_inputs()
    print(jax.jit(kernel)(*tuple(_d.values())))

</pallas_src>

<mosaic_0001>
#map = affine_map<(d0, d1) -> (0, 0)>
#map1 = affine_map<(d0, d1) -> (0, 0, 0)>
#map2 = affine_map<(d0, d1) -> (0)>
module attributes {stable_mosaic.version = 14 : i64} {
  func.func @gk(%arg0: i32, %arg1: i32, %arg2: memref<10001x128xf32, #tpu.memory_space<hbm>>, %arg3: memref<32x125x40xi32, #tpu.memory_space<hbm>>, %arg4: memref<10008xf32, #tpu.memory_space<hbm>>, %arg5: memref<160000x128xf32, #tpu.memory_space<hbm>>, %arg6: memref<160000xf32, #tpu.memory_space<hbm>>, %arg7: memref<125x40xi32, #tpu.memory_space<vmem>>, %arg8: memref<5000xf32, #tpu.memory_space<vmem>>, %arg9: memref<40x128xf32, #tpu.memory_space<vmem>>, %arg10: memref<40x128xf32, #tpu.memory_space<vmem>>, %arg11: memref<40x128xf32, #tpu.memory_space<vmem>>, %arg12: memref<40x128xf32, #tpu.memory_space<vmem>>, %arg13: memref<40x128xf32, #tpu.memory_space<vmem>>, %arg14: memref<!tpu.dma_semaphore, #tpu.memory_space<semaphore_mem>>, %arg15: memref<!tpu.dma_semaphore, #tpu.memory_space<semaphore_mem>>, %arg16: memref<!tpu.dma_semaphore, #tpu.memory_space<semaphore_mem>>) attributes {dimension_semantics = [#tpu.dimension_semantics<core_parallel>, #tpu.dimension_semantics<subcore_parallel>], iteration_bounds = array<i64: 2, 16>, scalar_prefetch = 0 : i64, scratch_operands = 10 : i64, tpu.core_type = #tpu.core_type<sc_vector_subcore>, window_params = [{transform_indices = #map}, {transform_indices = #map1}, {transform_indices = #map2}, {transform_indices = #map}, {transform_indices = #map2}]} {
    %mul3A = arith.constant 2 : i32
    %mul3A_0 = arith.muli %arg1, %mul3A : i32
    %add3A = arith.addi %mul3A_0, %arg0 : i32
    "tpu.region"() ({
      %run_scoped3A = tpu.sem_alloc : memref<!tpu.dma_semaphore, #tpu.memory_space<semaphore_mem>>
      %dma_start3A = arith.constant 0 : i32
      %dma_start3A_8 = arith.constant 0 : i32
      %dma_start3A_9 = tpu.memref_slice %arg3[%add3A, %dma_start3A, %dma_start3A_8] : memref<32x125x40xi32, #tpu.memory_space<hbm>> -> memref<1x125x40xi32, #tpu.memory_space<hbm>>
      %dma_start3A_10 = tpu.memref_squeeze %dma_start3A_9 : memref<1x125x40xi32, #tpu.memory_space<hbm>> -> memref<125x40xi32, #tpu.memory_space<hbm>>
      %dma_start3A_11 = arith.constant 0 : i32
      %dma_start3A_12 = arith.constant 0 : i32
      %dma_start3A_13 = tpu.memref_slice %arg3[%add3A, %dma_start3A_11, %dma_start3A_12] : memref<32x125x40xi32, #tpu.memory_space<hbm>> -> memref<1x125x40xi32, #tpu.memory_space<hbm>>
      %dma_start3A_14 = tpu.memref_squeeze %dma_start3A_13 : memref<1x125x40xi32, #tpu.memory_space<hbm>> -> memref<125x40xi32, #tpu.memory_space<hbm>>
      tpu.enqueue_dma source(%dma_start3A_14 : memref<125x40xi32, #tpu.memory_space<hbm>>) target(%arg7 : memref<125x40xi32, #tpu.memory_space<vmem>>) target_semaphore(%run_scoped3A : memref<!tpu.dma_semaphore, #tpu.memory_space<semaphore_mem>>)
      %dma_wait3A = arith.constant 0 : i32
      %dma_wait3A_15 = arith.constant 0 : i32
      %dma_wait3A_16 = tpu.memref_slice %arg3[%add3A, %dma_wait3A, %dma_wait3A_15] : memref<32x125x40xi32, #tpu.memory_space<hbm>> -> memref<1x125x40xi32, #tpu.memory_space<hbm>>
      %dma_wait3A_17 = tpu.memref_squeeze %dma_wait3A_16 : memref<1x125x40xi32, #tpu.memory_space<hbm>> -> memref<125x40xi32, #tpu.memory_space<hbm>>
      %dma_wait3A_18 = arith.constant 0 : i32
      %dma_wait3A_19 = arith.constant 0 : i32
      %dma_wait3A_20 = tpu.memref_slice %arg3[%add3A, %dma_wait3A_18, %dma_wait3A_19] : memref<32x125x40xi32, #tpu.memory_space<hbm>> -> memref<1x125x40xi32, #tpu.memory_space<hbm>>
      %dma_wait3A_21 = tpu.memref_squeeze %dma_wait3A_20 : memref<1x125x40xi32, #tpu.memory_space<hbm>> -> memref<125x40xi32, #tpu.memory_space<hbm>>
      tpu.wait_dma2 semaphore(%run_scoped3A : memref<!tpu.dma_semaphore, #tpu.memory_space<semaphore_mem>>) src(%dma_wait3A_21 : memref<125x40xi32, #tpu.memory_space<hbm>>) dst(%arg7 : memref<125x40xi32, #tpu.memory_space<vmem>>)
      tpu.yield
    }) : () -> ()
    %mul3A_1 = arith.constant 5000 : i32
    %mul3A_2 = arith.muli %add3A, %mul3A_1 : i32
    %scan3A = arith.constant 0 : i32
    %scan3A_3 = arith.constant 0 : i32
    %scan3A_4 = arith.constant 25 : i32
    %scan3A_5 = arith.addi %scan3A_3, %scan3A_4 : i32
    %scan3A_6 = arith.constant 1 : i32
    scf.for %scan3A_8 = %scan3A_3 to %scan3A_5 step %scan3A_6  : i32 {
      %mul3A_9 = arith.constant 5 : i32
      %mul3A_10 = arith.muli %scan3A_8, %mul3A_9 : i32
      %add3A_11 = arith.constant 0 : i32
      %add3A_12 = arith.addi %mul3A_10, %add3A_11 : i32
      %dma_start3A = arith.constant 0 : i32
      %dma_start3A_13 = tpu.memref_slice %arg7[%add3A_12, %dma_start3A] : memref<125x40xi32, #tpu.memory_space<vmem>> -> memref<1x40xi32, #tpu.memory_space<vmem>>
      %dma_start3A_14 = tpu.memref_squeeze %dma_start3A_13 : memref<1x40xi32, #tpu.memory_space<vmem>> -> memref<40xi32, #tpu.memory_space<vmem>>
      %dma_start3A_15 = arith.constant 0 : i32
      %dma_start3A_16 = arith.constant 0 : i32
      %dma_start3A_17 = tpu.memref_slice %arg2[%dma_start3A_15, %dma_start3A_16] : memref<10001x128xf32, #tpu.memory_space<hbm>> -> memref<10001x128xf32, #tpu.memory_space<hbm>>
      tpu.enqueue_indirect_dma source(%dma_start3A_17 : memref<10001x128xf32, #tpu.memory_space<hbm>>) target(%arg9 : memref<40x128xf32, #tpu.memory_space<vmem>>) offsets(%dma_start3A_14 : memref<40xi32, #tpu.memory_space<vmem>>) semaphore(%arg14 : memref<!tpu.dma_semaphore, #tpu.memory_space<semaphore_mem>>)
      %add3A_18 = arith.constant 1 : i32
      %add3A_19 = arith.addi %mul3A_10, %add3A_18 : i32
      %dma_start3A_20 = arith.constant 0 : i32
      %dma_start3A_21 = tpu.memref_slice %arg7[%add3A_19, %dma_start3A_20] : memref<125x40xi32, #tpu.memory_space<vmem>> -> memref<1x40xi32, #tpu.memory_space<vmem>>
      %dma_start3A_22 = tpu.memref_squeeze %dma_start3A_21 : memref<1x40xi32, #tpu.memory_space<vmem>> -> memref<40xi32, #tpu.memory_space<vmem>>
      %dma_start3A_23 = arith.constant 0 : i32
      %dma_start3A_24 = arith.constant 0 : i32
      %dma_start3A_25 = tpu.memref_slice %arg2[%dma_start3A_23, %dma_start3A_24] : memref<10001x128xf32, #tpu.memory_space<hbm>> -> memref<10001x128xf32, #tpu.memory_space<hbm>>
      tpu.enqueue_indirect_dma source(%dma_start3A_25 : memref<10001x128xf32, #tpu.memory_space<hbm>>) target(%arg10 : memref<40x128xf32, #tpu.memory_space<vmem>>) offsets(%dma_start3A_22 : memref<40xi32, #tpu.memory_space<vmem>>) semaphore(%arg14 : memref<!tpu.dma_semaphore, #tpu.memory_space<semaphore_mem>>)
      %add3A_26 = arith.constant 2 : i32
      %add3A_27 = arith.addi %mul3A_10, %add3A_26 : i32
      %dma_start3A_28 = arith.constant 0 : i32
      %dma_start3A_29 = tpu.memref_slice %arg7[%add3A_27, %dma_start3A_28] : memref<125x40xi32, #tpu.memory_space<vmem>> -> memref<1x40xi32, #tpu.memory_space<vmem>>
      %dma_start3A_30 = tpu.memref_squeeze %dma_start3A_29 : memref<1x40xi32, #tpu.memory_space<vmem>> -> memref<40xi32, #tpu.memory_space<vmem>>
      %dma_start3A_31 = arith.constant 0 : i32
      %dma_start3A_32 = arith.constant 0 : i32
      %dma_start3A_33 = tpu.memref_slice %arg2[%dma_start3A_31, %dma_start3A_32] : memref<10001x128xf32, #tpu.memory_space<hbm>> -> memref<10001x128xf32, #tpu.memory_space<hbm>>
      tpu.enqueue_indirect_dma source(%dma_start3A_33 : memref<10001x128xf32, #tpu.memory_space<hbm>>) target(%arg11 : memref<40x128xf32, #tpu.memory_space<vmem>>) offsets(%dma_start3A_30 : memref<40xi32, #tpu.memory_space<vmem>>) semaphore(%arg14 : memref<!tpu.dma_semaphore, #tpu.memory_space<semaphore_mem>>)
      %add3A_34 = arith.constant 3 : i32
      %add3A_35 = arith.addi %mul3A_10, %add3A_34 : i32
      %dma_start3A_36 = arith.constant 0 : i32
      %dma_start3A_37 = tpu.memref_slice %arg7[%add3A_35, %dma_start3A_36] : memref<125x40xi32, #tpu.memory_space<vmem>> -> memref<1x40xi32, #tpu.memory_space<vmem>>
      %dma_start3A_38 = tpu.memref_squeeze %dma_start3A_37 : memref<1x40xi32, #tpu.memory_space<vmem>> -> memref<40xi32, #tpu.memory_space<vmem>>
      %dma_start3A_39 = arith.constant 0 : i32
      %dma_start3A_40 = arith.constant 0 : i32
      %dma_start3A_41 = tpu.memref_slice %arg2[%dma_start3A_39, %dma_start3A_40] : memref<10001x128xf32, #tpu.memory_space<hbm>> -> memref<10001x128xf32, #tpu.memory_space<hbm>>
      tpu.enqueue_indirect_dma source(%dma_start3A_41 : memref<10001x128xf32, #tpu.memory_space<hbm>>) target(%arg12 : memref<40x128xf32, #tpu.memory_space<vmem>>) offsets(%dma_start3A_38 : memref<40xi32, #tpu.memory_space<vmem>>) semaphore(%arg14 : memref<!tpu.dma_semaphore, #tpu.memory_space<semaphore_mem>>)
      %add3A_42 = arith.constant 4 : i32
      %add3A_43 = arith.addi %mul3A_10, %add3A_42 : i32
      %dma_start3A_44 = arith.constant 0 : i32
      %dma_start3A_45 = tpu.memref_slice %arg7[%add3A_43, %dma_start3A_44] : memref<125x40xi32, #tpu.memory_space<vmem>> -> memref<1x40xi32, #tpu.memory_space<vmem>>
      %dma_start3A_46 = tpu.memref_squeeze %dma_start3A_45 : memref<1x40xi32, #tpu.memory_space<vmem>> -> memref<40xi32, #tpu.memory_space<vmem>>
      %dma_start3A_47 = arith.constant 0 : i32
      %dma_start3A_48 = arith.constant 0 : i32
      %dma_start3A_49 = tpu.memref_slice %arg2[%dma_start3A_47, %dma_start3A_48] : memref<10001x128xf32, #tpu.memory_space<hbm>> -> memref<10001x128xf32, #tpu.memory_space<hbm>>
      tpu.enqueue_indirect_dma source(%dma_start3A_49 : memref<10001x128xf32, #tpu.memory_space<hbm>>) target(%arg13 : memref<40x128xf32, #tpu.memory_space<vmem>>) offsets(%dma_start3A_46 : memref<40xi32, #tpu.memory_space<vmem>>) semaphore(%arg14 : memref<!tpu.dma_semaphore, #tpu.memory_space<semaphore_mem>>)
      %add3A_50 = arith.constant 0 : i32
      %add3A_51 = arith.addi %mul3A_10, %add3A_50 : i32
      %add3A_52 = arith.constant 0 : i32
      %add3A_53 = arith.addi %mul3A_10, %add3A_52 : i32
      %mul3A_54 = arith.constant 40 : i32
      %mul3A_55 = arith.muli %add3A_53, %mul3A_54 : i32
      %dma_start3A_56 = tpu.memref_slice %arg8[%mul3A_55] : memref<5000xf32, #tpu.memory_space<vmem>> -> memref<40xf32, #tpu.memory_space<vmem>>
      %dma_start3A_57 = arith.constant 0 : i32
      %dma_start3A_58 = tpu.memref_slice %arg7[%add3A_51, %dma_start3A_57] : memref<125x40xi32, #tpu.memory_space<vmem>> -> memref<1x40xi32, #tpu.memory_space<vmem>>
      %dma_start3A_59 = tpu.memref_squeeze %dma_start3A_58 : memref<1x40xi32, #tpu.memory_space<vmem>> -> memref<40xi32, #tpu.memory_space<vmem>>
      %dma_start3A_60 = arith.constant 0 : i32
      %dma_start3A_61 = tpu.memref_slice %arg4[%dma_start3A_60] : memref<10008xf32, #tpu.memory_space<hbm>> -> memref<10008xf32, #tpu.memory_space<hbm>>
      tpu.enqueue_indirect_dma source(%dma_start3A_61 : memref<10008xf32, #tpu.memory_space<hbm>>) target(%dma_start3A_56 : memref<40xf32, #tpu.memory_space<vmem>>) offsets(%dma_start3A_59 : memref<40xi32, #tpu.memory_space<vmem>>) semaphore(%arg16 : memref<!tpu.dma_semaphore, #tpu.memory_space<semaphore_mem>>)
      %add3A_62 = arith.constant 1 : i32
      %add3A_63 = arith.addi %mul3A_10, %add3A_62 : i32
      %add3A_64 = arith.constant 1 : i32
      %add3A_65 = arith.addi %mul3A_10, %add3A_64 : i32
      %mul3A_66 = arith.constant 40 : i32
      %mul3A_67 = arith.muli %add3A_65, %mul3A_66 : i32
      %dma_start3A_68 = tpu.memref_slice %arg8[%mul3A_67] : memref<5000xf32, #tpu.memory_space<vmem>> -> memref<40xf32, #tpu.memory_space<vmem>>
      %dma_start3A_69 = arith.constant 0 : i32
      %dma_start3A_70 = tpu.memref_slice %arg7[%add3A_63, %dma_start3A_69] : memref<125x40xi32, #tpu.memory_space<vmem>> -> memref<1x40xi32, #tpu.memory_space<vmem>>
      %dma_start3A_71 = tpu.memref_squeeze %dma_start3A_70 : memref<1x40xi32, #tpu.memory_space<vmem>> -> memref<40xi32, #tpu.memory_space<vmem>>
      %dma_start3A_72 = arith.constant 0 : i32
      %dma_start3A_73 = tpu.memref_slice %arg4[%dma_start3A_72] : memref<10008xf32, #tpu.memory_space<hbm>> -> memref<10008xf32, #tpu.memory_space<hbm>>
      tpu.enqueue_indirect_dma source(%dma_start3A_73 : memref<10008xf32, #tpu.memory_space<hbm>>) target(%dma_start3A_68 : memref<40xf32, #tpu.memory_space<vmem>>) offsets(%dma_start3A_71 : memref<40xi32, #tpu.memory_space<vmem>>) semaphore(%arg16 : memref<!tpu.dma_semaphore, #tpu.memory_space<semaphore_mem>>)
      %add3A_74 = arith.constant 2 : i32
      %add3A_75 = arith.addi %mul3A_10, %add3A_74 : i32
      %add3A_76 = arith.constant 2 : i32
      %add3A_77 = arith.addi %mul3A_10, %add3A_76 : i32
      %mul3A_78 = arith.constant 40 : i32
      %mul3A_79 = arith.muli %add3A_77, %mul3A_78 : i32
      %dma_start3A_80 = tpu.memref_slice %arg8[%mul3A_79] : memref<5000xf32, #tpu.memory_space<vmem>> -> memref<40xf32, #tpu.memory_space<vmem>>
      %dma_start3A_81 = arith.constant 0 : i32
      %dma_start3A_82 = tpu.memref_slice %arg7[%add3A_75, %dma_start3A_81] : memref<125x40xi32, #tpu.memory_space<vmem>> -> memref<1x40xi32, #tpu.memory_space<vmem>>
      %dma_start3A_83 = tpu.memref_squeeze %dma_start3A_82 : memref<1x40xi32, #tpu.memory_space<vmem>> -> memref<40xi32, #tpu.memory_space<vmem>>
      %dma_start3A_84 = arith.constant 0 : i32
      %dma_start3A_85 = tpu.memref_slice %arg4[%dma_start3A_84] : memref<10008xf32, #tpu.memory_space<hbm>> -> memref<10008xf32, #tpu.memory_space<hbm>>
      tpu.enqueue_indirect_dma source(%dma_start3A_85 : memref<10008xf32, #tpu.memory_space<hbm>>) target(%dma_start3A_80 : memref<40xf32, #tpu.memory_space<vmem>>) offsets(%dma_start3A_83 : memref<40xi32, #tpu.memory_space<vmem>>) semaphore(%arg16 : memref<!tpu.dma_semaphore, #tpu.memory_space<semaphore_mem>>)
      %add3A_86 = arith.constant 3 : i32
      %add3A_87 = arith.addi %mul3A_10, %add3A_86 : i32
      %add3A_88 = arith.constant 3 : i32
      %add3A_89 = arith.addi %mul3A_10, %add3A_88 : i32
      %mul3A_90 = arith.constant 40 : i32
      %mul3A_91 = arith.muli %add3A_89, %mul3A_90 : i32
      %dma_start3A_92 = tpu.memref_slice %arg8[%mul3A_91] : memref<5000xf32, #tpu.memory_space<vmem>> -> memref<40xf32, #tpu.memory_space<vmem>>
      %dma_start3A_93 = arith.constant 0 : i32
      %dma_start3A_94 = tpu.memref_slice %arg7[%add3A_87, %dma_start3A_93] : memref<125x40xi32, #tpu.memory_space<vmem>> -> memref<1x40xi32, #tpu.memory_space<vmem>>
      %dma_start3A_95 = tpu.memref_squeeze %dma_start3A_94 : memref<1x40xi32, #tpu.memory_space<vmem>> -> memref<40xi32, #tpu.memory_space<vmem>>
      %dma_start3A_96 = arith.constant 0 : i32
      %dma_start3A_97 = tpu.memref_slice %arg4[%dma_start3A_96] : memref<10008xf32, #tpu.memory_space<hbm>> -> memref<10008xf32, #tpu.memory_space<hbm>>
      tpu.enqueue_indirect_dma source(%dma_start3A_97 : memref<10008xf32, #tpu.memory_space<hbm>>) target(%dma_start3A_92 : memref<40xf32, #tpu.memory_space<vmem>>) offsets(%dma_start3A_95 : memref<40xi32, #tpu.memory_space<vmem>>) semaphore(%arg16 : memref<!tpu.dma_semaphore, #tpu.memory_space<semaphore_mem>>)
      %add3A_98 = arith.constant 4 : i32
      %add3A_99 = arith.addi %mul3A_10, %add3A_98 : i32
      %add3A_100 = arith.constant 4 : i32
      %add3A_101 = arith.addi %mul3A_10, %add3A_100 : i32
      %mul3A_102 = arith.constant 40 : i32
      %mul3A_103 = arith.muli %add3A_101, %mul3A_102 : i32
      %dma_start3A_104 = tpu.memref_slice %arg8[%mul3A_103] : memref<5000xf32, #tpu.memory_space<vmem>> -> memref<40xf32, #tpu.memory_space<vmem>>
      %dma_start3A_105 = arith.constant 0 : i32
      %dma_start3A_106 = tpu.memref_slice %arg7[%add3A_99, %dma_start3A_105] : memref<125x40xi32, #tpu.memory_space<vmem>> -> memref<1x40xi32, #tpu.memory_space<vmem>>
      %dma_start3A_107 = tpu.memref_squeeze %dma_start3A_106 : memref<1x40xi32, #tpu.memory_space<vmem>> -> memref<40xi32, #tpu.memory_space<vmem>>
      %dma_start3A_108 = arith.constant 0 : i32
      %dma_start3A_109 = tpu.memref_slice %arg4[%dma_start3A_108] : memref<10008xf32, #tpu.memory_space<hbm>> -> memref<10008xf32, #tpu.memory_space<hbm>>
      tpu.enqueue_indirect_dma source(%dma_start3A_109 : memref<10008xf32, #tpu.memory_space<hbm>>) target(%dma_start3A_104 : memref<40xf32, #tpu.memory_space<vmem>>) offsets(%dma_start3A_107 : memref<40xi32, #tpu.memory_space<vmem>>) semaphore(%arg16 : memref<!tpu.dma_semaphore, #tpu.memory_space<semaphore_mem>>)
      %dma_wait3A = arith.constant 0 : i32
      %dma_wait3A_110 = tpu.memref_slice %arg7[%add3A_12, %dma_wait3A] : memref<125x40xi32, #tpu.memory_space<vmem>> -> memref<1x40xi32, #tpu.memory_space<vmem>>
      %dma_wait3A_111 = tpu.memref_squeeze %dma_wait3A_110 : memref<1x40xi32, #tpu.memory_space<vmem>> -> memref<40xi32, #tpu.memory_space<vmem>>
      %dma_wait3A_112 = arith.constant 0 : i32
      %dma_wait3A_113 = arith.constant 0 : i32
      %dma_wait3A_114 = tpu.memref_slice %arg2[%dma_wait3A_112, %dma_wait3A_113] : memref<10001x128xf32, #tpu.memory_space<hbm>> -> memref<10001x128xf32, #tpu.memory_space<hbm>>
      tpu.wait_indirect_dma semaphore(%arg14 : memref<!tpu.dma_semaphore, #tpu.memory_space<semaphore_mem>>) src(%dma_wait3A_114 : memref<10001x128xf32, #tpu.memory_space<hbm>>) dst(%arg9 : memref<40x128xf32, #tpu.memory_space<vmem>>)
      %add3A_115 = arith.constant 0 : i32
      %add3A_116 = arith.addi %mul3A_10, %add3A_115 : i32
      %mul3A_117 = arith.constant 40 : i32
      %mul3A_118 = arith.muli %add3A_116, %mul3A_117 : i32
      %add3A_119 = arith.addi %mul3A_2, %mul3A_118 : i32
      %dma_start3A_120 = arith.constant 0 : i32
      %dma_start3A_121 = tpu.memref_slice %arg5[%add3A_119, %dma_start3A_120] : memref<160000x128xf32, #tpu.memory_space<hbm>> -> memref<40x128xf32, #tpu.memory_space<hbm>>
      %dma_start3A_122 = arith.constant 0 : i32
      %dma_start3A_123 = tpu.memref_slice %arg5[%add3A_119, %dma_start3A_122] : memref<160000x128xf32, #tpu.memory_space<hbm>> -> memref<40x128xf32, #tpu.memory_space<hbm>>
      tpu.enqueue_dma source(%arg9 : memref<40x128xf32, #tpu.memory_space<vmem>>) target(%dma_start3A_123 : memref<40x128xf32, #tpu.memory_space<hbm>>) target_semaphore(%arg15 : memref<!tpu.dma_semaphore, #tpu.memory_space<semaphore_mem>>)
      %dma_wait3A_124 = arith.constant 0 : i32
      %dma_wait3A_125 = tpu.memref_slice %arg7[%add3A_19, %dma_wait3A_124] : memref<125x40xi32, #tpu.memory_space<vmem>> -> memref<1x40xi32, #tpu.memory_space<vmem>>
      %dma_wait3A_126 = tpu.memref_squeeze %dma_wait3A_125 : memref<1x40xi32, #tpu.memory_space<vmem>> -> memref<40xi32, #tpu.memory_space<vmem>>
      %dma_wait3A_127 = arith.constant 0 : i32
      %dma_wait3A_128 = arith.constant 0 : i32
      %dma_wait3A_129 = tpu.memref_slice %arg2[%dma_wait3A_127, %dma_wait3A_128] : memref<10001x128xf32, #tpu.memory_space<hbm>> -> memref<10001x128xf32, #tpu.memory_space<hbm>>
      tpu.wait_indirect_dma semaphore(%arg14 : memref<!tpu.dma_semaphore, #tpu.memory_space<semaphore_mem>>) src(%dma_wait3A_129 : memref<10001x128xf32, #tpu.memory_space<hbm>>) dst(%arg10 : memref<40x128xf32, #tpu.memory_space<vmem>>)
      %add3A_130 = arith.constant 1 : i32
      %add3A_131 = arith.addi %mul3A_10, %add3A_130 : i32
      %mul3A_132 = arith.constant 40 : i32
      %mul3A_133 = arith.muli %add3A_131, %mul3A_132 : i32
      %add3A_134 = arith.addi %mul3A_2, %mul3A_133 : i32
      %dma_start3A_135 = arith.constant 0 : i32
      %dma_start3A_136 = tpu.memref_slice %arg5[%add3A_134, %dma_start3A_135] : memref<160000x128xf32, #tpu.memory_space<hbm>> -> memref<40x128xf32, #tpu.memory_space<hbm>>
      %dma_start3A_137 = arith.constant 0 : i32
      %dma_start3A_138 = tpu.memref_slice %arg5[%add3A_134, %dma_start3A_137] : memref<160000x128xf32, #tpu.memory_space<hbm>> -> memref<40x128xf32, #tpu.memory_space<hbm>>
      tpu.enqueue_dma source(%arg10 : memref<40x128xf32, #tpu.memory_space<vmem>>) target(%dma_start3A_138 : memref<40x128xf32, #tpu.memory_space<hbm>>) target_semaphore(%arg15 : memref<!tpu.dma_semaphore, #tpu.memory_space<semaphore_mem>>)
      %dma_wait3A_139 = arith.constant 0 : i32
      %dma_wait3A_140 = tpu.memref_slice %arg7[%add3A_27, %dma_wait3A_139] : memref<125x40xi32, #tpu.memory_space<vmem>> -> memref<1x40xi32, #tpu.memory_space<vmem>>
      %dma_wait3A_141 = tpu.memref_squeeze %dma_wait3A_140 : memref<1x40xi32, #tpu.memory_space<vmem>> -> memref<40xi32, #tpu.memory_space<vmem>>
      %dma_wait3A_142 = arith.constant 0 : i32
      %dma_wait3A_143 = arith.constant 0 : i32
      %dma_wait3A_144 = tpu.memref_slice %arg2[%dma_wait3A_142, %dma_wait3A_143] : memref<10001x128xf32, #tpu.memory_space<hbm>> -> memref<10001x128xf32, #tpu.memory_space<hbm>>
      tpu.wait_indirect_dma semaphore(%arg14 : memref<!tpu.dma_semaphore, #tpu.memory_space<semaphore_mem>>) src(%dma_wait3A_144 : memref<10001x128xf32, #tpu.memory_space<hbm>>) dst(%arg11 : memref<40x128xf32, #tpu.memory_space<vmem>>)
      %add3A_145 = arith.constant 2 : i32
      %add3A_146 = arith.addi %mul3A_10, %add3A_145 : i32
      %mul3A_147 = arith.constant 40 : i32
      %mul3A_148 = arith.muli %add3A_146, %mul3A_147 : i32
      %add3A_149 = arith.addi %mul3A_2, %mul3A_148 : i32
      %dma_start3A_150 = arith.constant 0 : i32
      %dma_start3A_151 = tpu.memref_slice %arg5[%add3A_149, %dma_start3A_150] : memref<160000x128xf32, #tpu.memory_space<hbm>> -> memref<40x128xf32, #tpu.memory_space<hbm>>
      %dma_start3A_152 = arith.constant 0 : i32
      %dma_start3A_153 = tpu.memref_slice %arg5[%add3A_149, %dma_start3A_152] : memref<160000x128xf32, #tpu.memory_space<hbm>> -> memref<40x128xf32, #tpu.memory_space<hbm>>
      tpu.enqueue_dma source(%arg11 : memref<40x128xf32, #tpu.memory_space<vmem>>) target(%dma_start3A_153 : memref<40x128xf32, #tpu.memory_space<hbm>>) target_semaphore(%arg15 : memref<!tpu.dma_semaphore, #tpu.memory_space<semaphore_mem>>)
      %dma_wait3A_154 = arith.constant 0 : i32
      %dma_wait3A_155 = tpu.memref_slice %arg7[%add3A_35, %dma_wait3A_154] : memref<125x40xi32, #tpu.memory_space<vmem>> -> memref<1x40xi32, #tpu.memory_space<vmem>>
      %dma_wait3A_156 = tpu.memref_squeeze %dma_wait3A_155 : memref<1x40xi32, #tpu.memory_space<vmem>> -> memref<40xi32, #tpu.memory_space<vmem>>
      %dma_wait3A_157 = arith.constant 0 : i32
      %dma_wait3A_158 = arith.constant 0 : i32
      %dma_wait3A_159 = tpu.memref_slice %arg2[%dma_wait3A_157, %dma_wait3A_158] : memref<10001x128xf32, #tpu.memory_space<hbm>> -> memref<10001x128xf32, #tpu.memory_space<hbm>>
      tpu.wait_indirect_dma semaphore(%arg14 : memref<!tpu.dma_semaphore, #tpu.memory_space<semaphore_mem>>) src(%dma_wait3A_159 : memref<10001x128xf32, #tpu.memory_space<hbm>>) dst(%arg12 : memref<40x128xf32, #tpu.memory_space<vmem>>)
      %add3A_160 = arith.constant 3 : i32
      %add3A_161 = arith.addi %mul3A_10, %add3A_160 : i32
      %mul3A_162 = arith.constant 40 : i32
      %mul3A_163 = arith.muli %add3A_161, %mul3A_162 : i32
      %add3A_164 = arith.addi %mul3A_2, %mul3A_163 : i32
      %dma_start3A_165 = arith.constant 0 : i32
      %dma_start3A_166 = tpu.memref_slice %arg5[%add3A_164, %dma_start3A_165] : memref<160000x128xf32, #tpu.memory_space<hbm>> -> memref<40x128xf32, #tpu.memory_space<hbm>>
      %dma_start3A_167 = arith.constant 0 : i32
      %dma_start3A_168 = tpu.memref_slice %arg5[%add3A_164, %dma_start3A_167] : memref<160000x128xf32, #tpu.memory_space<hbm>> -> memref<40x128xf32, #tpu.memory_space<hbm>>
      tpu.enqueue_dma source(%arg12 : memref<40x128xf32, #tpu.memory_space<vmem>>) target(%dma_start3A_168 : memref<40x128xf32, #tpu.memory_space<hbm>>) target_semaphore(%arg15 : memref<!tpu.dma_semaphore, #tpu.memory_space<semaphore_mem>>)
      %dma_wait3A_169 = arith.constant 0 : i32
      %dma_wait3A_170 = tpu.memref_slice %arg7[%add3A_43, %dma_wait3A_169] : memref<125x40xi32, #tpu.memory_space<vmem>> -> memref<1x40xi32, #tpu.memory_space<vmem>>
      %dma_wait3A_171 = tpu.memref_squeeze %dma_wait3A_170 : memref<1x40xi32, #tpu.memory_space<vmem>> -> memref<40xi32, #tpu.memory_space<vmem>>
      %dma_wait3A_172 = arith.constant 0 : i32
      %dma_wait3A_173 = arith.constant 0 : i32
      %dma_wait3A_174 = tpu.memref_slice %arg2[%dma_wait3A_172, %dma_wait3A_173] : memref<10001x128xf32, #tpu.memory_space<hbm>> -> memref<10001x128xf32, #tpu.memory_space<hbm>>
      tpu.wait_indirect_dma semaphore(%arg14 : memref<!tpu.dma_semaphore, #tpu.memory_space<semaphore_mem>>) src(%dma_wait3A_174 : memref<10001x128xf32, #tpu.memory_space<hbm>>) dst(%arg13 : memref<40x128xf32, #tpu.memory_space<vmem>>)
      %add3A_175 = arith.constant 4 : i32
      %add3A_176 = arith.addi %mul3A_10, %add3A_175 : i32
      %mul3A_177 = arith.constant 40 : i32
      %mul3A_178 = arith.muli %add3A_176, %mul3A_177 : i32
      %add3A_179 = arith.addi %mul3A_2, %mul3A_178 : i32
      %dma_start3A_180 = arith.constant 0 : i32
      %dma_start3A_181 = tpu.memref_slice %arg5[%add3A_179, %dma_start3A_180] : memref<160000x128xf32, #tpu.memory_space<hbm>> -> memref<40x128xf32, #tpu.memory_space<hbm>>
      %dma_start3A_182 = arith.constant 0 : i32
      %dma_start3A_183 = tpu.memref_slice %arg5[%add3A_179, %dma_start3A_182] : memref<160000x128xf32, #tpu.memory_space<hbm>> -> memref<40x128xf32, #tpu.memory_space<hbm>>
      tpu.enqueue_dma source(%arg13 : memref<40x128xf32, #tpu.memory_space<vmem>>) target(%dma_start3A_183 : memref<40x128xf32, #tpu.memory_space<hbm>>) target_semaphore(%arg15 : memref<!tpu.dma_semaphore, #tpu.memory_space<semaphore_mem>>)
      %dma_wait3A_184 = tpu.memref_slice %arg8[%mul3A_55] : memref<5000xf32, #tpu.memory_space<vmem>> -> memref<40xf32, #tpu.memory_space<vmem>>
      %dma_wait3A_185 = arith.constant 0 : i32
      %dma_wait3A_186 = tpu.memref_slice %arg7[%add3A_51, %dma_wait3A_185] : memref<125x40xi32, #tpu.memory_space<vmem>> -> memref<1x40xi32, #tpu.memory_space<vmem>>
      %dma_wait3A_187 = tpu.memref_squeeze %dma_wait3A_186 : memref<1x40xi32, #tpu.memory_space<vmem>> -> memref<40xi32, #tpu.memory_space<vmem>>
      %dma_wait3A_188 = arith.constant 0 : i32
      %dma_wait3A_189 = tpu.memref_slice %arg4[%dma_wait3A_188] : memref<10008xf32, #tpu.memory_space<hbm>> -> memref<10008xf32, #tpu.memory_space<hbm>>
      tpu.wait_indirect_dma semaphore(%arg16 : memref<!tpu.dma_semaphore, #tpu.memory_space<semaphore_mem>>) src(%dma_wait3A_189 : memref<10008xf32, #tpu.memory_space<hbm>>) dst(%dma_wait3A_184 : memref<40xf32, #tpu.memory_space<vmem>>)
      %dma_wait3A_190 = tpu.memref_slice %arg8[%mul3A_67] : memref<5000xf32, #tpu.memory_space<vmem>> -> memref<40xf32, #tpu.memory_space<vmem>>
      %dma_wait3A_191 = arith.constant 0 : i32
      %dma_wait3A_192 = tpu.memref_slice %arg7[%add3A_63, %dma_wait3A_191] : memref<125x40xi32, #tpu.memory_space<vmem>> -> memref<1x40xi32, #tpu.memory_space<vmem>>
      %dma_wait3A_193 = tpu.memref_squeeze %dma_wait3A_192 : memref<1x40xi32, #tpu.memory_space<vmem>> -> memref<40xi32, #tpu.memory_space<vmem>>
      %dma_wait3A_194 = arith.constant 0 : i32
      %dma_wait3A_195 = tpu.memref_slice %arg4[%dma_wait3A_194] : memref<10008xf32, #tpu.memory_space<hbm>> -> memref<10008xf32, #tpu.memory_space<hbm>>
      tpu.wait_indirect_dma semaphore(%arg16 : memref<!tpu.dma_semaphore, #tpu.memory_space<semaphore_mem>>) src(%dma_wait3A_195 : memref<10008xf32, #tpu.memory_space<hbm>>) dst(%dma_wait3A_190 : memref<40xf32, #tpu.memory_space<vmem>>)
      %dma_wait3A_196 = tpu.memref_slice %arg8[%mul3A_79] : memref<5000xf32, #tpu.memory_space<vmem>> -> memref<40xf32, #tpu.memory_space<vmem>>
      %dma_wait3A_197 = arith.constant 0 : i32
      %dma_wait3A_198 = tpu.memref_slice %arg7[%add3A_75, %dma_wait3A_197] : memref<125x40xi32, #tpu.memory_space<vmem>> -> memref<1x40xi32, #tpu.memory_space<vmem>>
      %dma_wait3A_199 = tpu.memref_squeeze %dma_wait3A_198 : memref<1x40xi32, #tpu.memory_space<vmem>> -> memref<40xi32, #tpu.memory_space<vmem>>
      %dma_wait3A_200 = arith.constant 0 : i32
      %dma_wait3A_201 = tpu.memref_slice %arg4[%dma_wait3A_200] : memref<10008xf32, #tpu.memory_space<hbm>> -> memref<10008xf32, #tpu.memory_space<hbm>>
      tpu.wait_indirect_dma semaphore(%arg16 : memref<!tpu.dma_semaphore, #tpu.memory_space<semaphore_mem>>) src(%dma_wait3A_201 : memref<10008xf32, #tpu.memory_space<hbm>>) dst(%dma_wait3A_196 : memref<40xf32, #tpu.memory_space<vmem>>)
      %dma_wait3A_202 = tpu.memref_slice %arg8[%mul3A_91] : memref<5000xf32, #tpu.memory_space<vmem>> -> memref<40xf32, #tpu.memory_space<vmem>>
      %dma_wait3A_203 = arith.constant 0 : i32
      %dma_wait3A_204 = tpu.memref_slice %arg7[%add3A_87, %dma_wait3A_203] : memref<125x40xi32, #tpu.memory_space<vmem>> -> memref<1x40xi32, #tpu.memory_space<vmem>>
      %dma_wait3A_205 = tpu.memref_squeeze %dma_wait3A_204 : memref<1x40xi32, #tpu.memory_space<vmem>> -> memref<40xi32, #tpu.memory_space<vmem>>
      %dma_wait3A_206 = arith.constant 0 : i32
      %dma_wait3A_207 = tpu.memref_slice %arg4[%dma_wait3A_206] : memref<10008xf32, #tpu.memory_space<hbm>> -> memref<10008xf32, #tpu.memory_space<hbm>>
      tpu.wait_indirect_dma semaphore(%arg16 : memref<!tpu.dma_semaphore, #tpu.memory_space<semaphore_mem>>) src(%dma_wait3A_207 : memref<10008xf32, #tpu.memory_space<hbm>>) dst(%dma_wait3A_202 : memref<40xf32, #tpu.memory_space<vmem>>)
      %dma_wait3A_208 = tpu.memref_slice %arg8[%mul3A_103] : memref<5000xf32, #tpu.memory_space<vmem>> -> memref<40xf32, #tpu.memory_space<vmem>>
      %dma_wait3A_209 = arith.constant 0 : i32
      %dma_wait3A_210 = tpu.memref_slice %arg7[%add3A_99, %dma_wait3A_209] : memref<125x40xi32, #tpu.memory_space<vmem>> -> memref<1x40xi32, #tpu.memory_space<vmem>>
      %dma_wait3A_211 = tpu.memref_squeeze %dma_wait3A_210 : memref<1x40xi32, #tpu.memory_space<vmem>> -> memref<40xi32, #tpu.memory_space<vmem>>
      %dma_wait3A_212 = arith.constant 0 : i32
      %dma_wait3A_213 = tpu.memref_slice %arg4[%dma_wait3A_212] : memref<10008xf32, #tpu.memory_space<hbm>> -> memref<10008xf32, #tpu.memory_space<hbm>>
      tpu.wait_indirect_dma semaphore(%arg16 : memref<!tpu.dma_semaphore, #tpu.memory_space<semaphore_mem>>) src(%dma_wait3A_213 : memref<10008xf32, #tpu.memory_space<hbm>>) dst(%dma_wait3A_208 : memref<40xf32, #tpu.memory_space<vmem>>)
      %dma_wait3A_214 = arith.constant 0 : i32
      %dma_wait3A_215 = tpu.memref_slice %arg5[%add3A_119, %dma_wait3A_214] : memref<160000x128xf32, #tpu.memory_space<hbm>> -> memref<40x128xf32, #tpu.memory_space<hbm>>
      %dma_wait3A_216 = arith.constant 0 : i32
      %dma_wait3A_217 = tpu.memref_slice %arg5[%add3A_119, %dma_wait3A_216] : memref<160000x128xf32, #tpu.memory_space<hbm>> -> memref<40x128xf32, #tpu.memory_space<hbm>>
      tpu.wait_dma2 semaphore(%arg15 : memref<!tpu.dma_semaphore, #tpu.memory_space<semaphore_mem>>) src(%arg9 : memref<40x128xf32, #tpu.memory_space<vmem>>) dst(%dma_wait3A_217 : memref<40x128xf32, #tpu.memory_space<hbm>>)
      %dma_wait3A_218 = arith.constant 0 : i32
      %dma_wait3A_219 = tpu.memref_slice %arg5[%add3A_134, %dma_wait3A_218] : memref<160000x128xf32, #tpu.memory_space<hbm>> -> memref<40x128xf32, #tpu.memory_space<hbm>>
      %dma_wait3A_220 = arith.constant 0 : i32
      %dma_wait3A_221 = tpu.memref_slice %arg5[%add3A_134, %dma_wait3A_220] : memref<160000x128xf32, #tpu.memory_space<hbm>> -> memref<40x128xf32, #tpu.memory_space<hbm>>
      tpu.wait_dma2 semaphore(%arg15 : memref<!tpu.dma_semaphore, #tpu.memory_space<semaphore_mem>>) src(%arg10 : memref<40x128xf32, #tpu.memory_space<vmem>>) dst(%dma_wait3A_221 : memref<40x128xf32, #tpu.memory_space<hbm>>)
      %dma_wait3A_222 = arith.constant 0 : i32
      %dma_wait3A_223 = tpu.memref_slice %arg5[%add3A_149, %dma_wait3A_222] : memref<160000x128xf32, #tpu.memory_space<hbm>> -> memref<40x128xf32, #tpu.memory_space<hbm>>
      %dma_wait3A_224 = arith.constant 0 : i32
      %dma_wait3A_225 = tpu.memref_slice %arg5[%add3A_149, %dma_wait3A_224] : memref<160000x128xf32, #tpu.memory_space<hbm>> -> memref<40x128xf32, #tpu.memory_space<hbm>>
      tpu.wait_dma2 semaphore(%arg15 : memref<!tpu.dma_semaphore, #tpu.memory_space<semaphore_mem>>) src(%arg11 : memref<40x128xf32, #tpu.memory_space<vmem>>) dst(%dma_wait3A_225 : memref<40x128xf32, #tpu.memory_space<hbm>>)
      %dma_wait3A_226 = arith.constant 0 : i32
      %dma_wait3A_227 = tpu.memref_slice %arg5[%add3A_164, %dma_wait3A_226] : memref<160000x128xf32, #tpu.memory_space<hbm>> -> memref<40x128xf32, #tpu.memory_space<hbm>>
      %dma_wait3A_228 = arith.constant 0 : i32
      %dma_wait3A_229 = tpu.memref_slice %arg5[%add3A_164, %dma_wait3A_228] : memref<160000x128xf32, #tpu.memory_space<hbm>> -> memref<40x128xf32, #tpu.memory_space<hbm>>
      tpu.wait_dma2 semaphore(%arg15 : memref<!tpu.dma_semaphore, #tpu.memory_space<semaphore_mem>>) src(%arg12 : memref<40x128xf32, #tpu.memory_space<vmem>>) dst(%dma_wait3A_229 : memref<40x128xf32, #tpu.memory_space<hbm>>)
      %dma_wait3A_230 = arith.constant 0 : i32
      %dma_wait3A_231 = tpu.memref_slice %arg5[%add3A_179, %dma_wait3A_230] : memref<160000x128xf32, #tpu.memory_space<hbm>> -> memref<40x128xf32, #tpu.memory_space<hbm>>
      %dma_wait3A_232 = arith.constant 0 : i32
      %dma_wait3A_233 = tpu.memref_slice %arg5[%add3A_179, %dma_wait3A_232] : memref<160000x128xf32, #tpu.memory_space<hbm>> -> memref<40x128xf32, #tpu.memory_space<hbm>>
      tpu.wait_dma2 semaphore(%arg15 : memref<!tpu.dma_semaphore, #tpu.memory_space<semaphore_mem>>) src(%arg13 : memref<40x128xf32, #tpu.memory_space<vmem>>) dst(%dma_wait3A_233 : memref<40x128xf32, #tpu.memory_space<hbm>>)
    }
    %scan3A_7 = arith.constant 25 : i32
    "tpu.region"() ({
      %run_scoped3A = tpu.sem_alloc : memref<!tpu.dma_semaphore, #tpu.memory_space<semaphore_mem>>
      %dma_start3A = tpu.memref_slice %arg6[%mul3A_2] : memref<160000xf32, #tpu.memory_space<hbm>> -> memref<5000xf32, #tpu.memory_space<hbm>>
      %dma_start3A_8 = tpu.memref_slice %arg6[%mul3A_2] : memref<160000xf32, #tpu.memory_space<hbm>> -> memref<5000xf32, #tpu.memory_space<hbm>>
      tpu.enqueue_dma source(%arg8 : memref<5000xf32, #tpu.memory_space<vmem>>) target(%dma_start3A_8 : memref<5000xf32, #tpu.memory_space<hbm>>) target_semaphore(%run_scoped3A : memref<!tpu.dma_semaphore, #tpu.memory_space<semaphore_mem>>)
      %dma_wait3A = tpu.memref_slice %arg6[%mul3A_2] : memref<160000xf32, #tpu.memory_space<hbm>> -> memref<5000xf32, #tpu.memory_space<hbm>>
      %dma_wait3A_9 = tpu.memref_slice %arg6[%mul3A_2] : memref<160000xf32, #tpu.memory_space<hbm>> -> memref<5000xf32, #tpu.memory_space<hbm>>
      tpu.wait_dma2 semaphore(%run_scoped3A : memref<!tpu.dma_semaphore, #tpu.memory_space<semaphore_mem>>) src(%arg8 : memref<5000xf32, #tpu.memory_space<vmem>>) dst(%dma_wait3A_9 : memref<5000xf32, #tpu.memory_space<hbm>>)
      tpu.yield
    }) : () -> ()
    return
  }
}

module attributes {stable_mosaic.version = 14 : i64} {
  func.func @_tc_body(%arg0: i32, %arg1: memref<200x128xf32, #tpu.memory_space<vmem>>, %arg2: memref<200x16x128xf32, #tpu.memory_space<vmem>>, %arg3: memref<200x8x128xf32, #tpu.memory_space<vmem>>, %arg4: memref<200x16x128xf32, #tpu.memory_space<vmem>>, %arg5: memref<200x16x1xf32, #tpu.memory_space<vmem>>, %arg6: memref<200x8x1xf32, #tpu.memory_space<vmem>>, %arg7: memref<128x256xf32, #tpu.memory_space<vmem>>, %arg8: memref<128x256xf32, #tpu.memory_space<vmem>>, %arg9: memref<128x256xf32, #tpu.memory_space<vmem>>, %arg10: memref<128x256xf32, #tpu.memory_space<vmem>>, %arg11: memref<128x128xf32, #tpu.memory_space<vmem>>, %arg12: memref<128x256xf32, #tpu.memory_space<vmem>>, %arg13: memref<128x256xf32, #tpu.memory_space<vmem>>, %arg14: memref<128x256xf32, #tpu.memory_space<vmem>>, %arg15: memref<128x256xf32, #tpu.memory_space<vmem>>, %arg16: memref<128x128xf32, #tpu.memory_space<vmem>>, %arg17: memref<128x256xf32, #tpu.memory_space<vmem>>, %arg18: memref<128x128xf32, #tpu.memory_space<vmem>>, %arg19: memref<6x128xf32, #tpu.memory_space<vmem>>, %arg20: memref<200x128xf32, #tpu.memory_space<vmem>>, %arg21: memref<200x16x128xf32, #tpu.memory_space<vmem>>, %arg22: memref<200x8x128xf32, #tpu.memory_space<vmem>>) attributes {dimension_semantics = [#tpu.dimension_semantics<arbitrary>], iteration_bounds = array<i64: 50>, scalar_prefetch = 0 : i64, scratch_operands = 0 : i64, tpu.core_type = #tpu.core_type<tc>, window_params = [{transform_indices = @transform_0, window_bounds = array<i64: 200, 128>}, {transform_indices = @transform_1, window_bounds = array<i64: 200, 16, 128>}, {transform_indices = @transform_2, window_bounds = array<i64: 200, 8, 128>}, {transform_indices = @transform_3, window_bounds = array<i64: 200, 16, 128>}, {transform_indices = @transform_4, window_bounds = array<i64: 200, 16, 1>}, {transform_indices = @transform_5, window_bounds = array<i64: 200, 8, 1>}, {pipeline_mode = #tpu.pipeline_mode<synchronous>, transform_indices = @transform_6, window_bounds = array<i64: 128, 256>}, {pipeline_mode = #tpu.pipeline_mode<synchronous>, transform_indices = @transform_7, window_bounds = array<i64: 128, 256>}, {pipeline_mode = #tpu.pipeline_mode<synchronous>, transform_indices = @transform_8, window_bounds = array<i64: 128, 256>}, {pipeline_mode = #tpu.pipeline_mode<synchronous>, transform_indices = @transform_9, window_bounds = array<i64: 128, 256>}, {pipeline_mode = #tpu.pipeline_mode<synchronous>, transform_indices = @transform_10, window_bounds = array<i64: 128, 128>}, {pipeline_mode = #tpu.pipeline_mode<synchronous>, transform_indices = @transform_11, window_bounds = array<i64: 128, 256>}, {pipeline_mode = #tpu.pipeline_mode<synchronous>, transform_indices = @transform_12, window_bounds = array<i64: 128, 256>}, {pipeline_mode = #tpu.pipeline_mode<synchronous>, transform_indices = @transform_13, window_bounds = array<i64: 128, 256>}, {pipeline_mode = #tpu.pipeline_mode<synchronous>, transform_indices = @transform_14, window_bounds = array<i64: 128, 256>}, {pipeline_mode = #tpu.pipeline_mode<synchronous>, transform_indices = @transform_15, window_bounds = array<i64: 128, 128>}, {pipeline_mode = #tpu.pipeline_mode<synchronous>, transform_indices = @transform_16, window_bounds = array<i64: 128, 256>}, {pipeline_mode = #tpu.pipeline_mode<synchronous>, transform_indices = @transform_17, window_bounds = array<i64: 128, 128>}, {pipeline_mode = #tpu.pipeline_mode<synchronous>, transform_indices = @transform_18, window_bounds = array<i64: 6, 128>}, {transform_indices = @transform_19, window_bounds = array<i64: 200, 128>}, {transform_indices = @transform_20, window_bounds = array<i64: 200, 16, 128>}, {transform_indices = @transform_21, window_bounds = array<i64: 200, 8, 128>}]} {
    %get3A = arith.constant 0 : index
    %get3A_0 = arith.constant 0 : index
    %get3A_1 = vector.load %arg1[%get3A, %get3A_0] : memref<200x128xf32, #tpu.memory_space<vmem>>, vector<200x128xf32>
    %get3A_2 = arith.constant 0 : index
    %get3A_3 = arith.constant 0 : index
    %get3A_4 = arith.constant 0 : index
    %get3A_5 = vector.load %arg2[%get3A_2, %get3A_3, %get3A_4] : memref<200x16x128xf32, #tpu.memory_space<vmem>>, vector<200x16x128xf32>
    %reshape3A = vector.shape_cast %get3A_5 : vector<200x16x128xf32> to vector<3200x128xf32>
    %get3A_6 = arith.constant 0 : index
    %get3A_7 = arith.constant 0 : index
    %get3A_8 = arith.constant 0 : index
    %get3A_9 = vector.load %arg3[%get3A_6, %get3A_7, %get3A_8] : memref<200x8x128xf32, #tpu.memory_space<vmem>>, vector<200x8x128xf32>
    %reshape3A_10 = vector.shape_cast %get3A_9 : vector<200x8x128xf32> to vector<1600x128xf32>
    %get3A_11 = arith.constant 0 : index
    %get3A_12 = arith.constant 0 : index
    %get3A_13 = arith.constant 0 : index
    %get3A_14 = vector.load %arg4[%get3A_11, %get3A_12, %get3A_13] : memref<200x16x128xf32, #tpu.memory_space<vmem>>, vector<200x16x128xf32>
    %reshape3A_15 = vector.shape_cast %get3A_14 : vector<200x16x128xf32> to vector<3200x128xf32>
    %get3A_16 = arith.constant 0 : index
    %get3A_17 = arith.constant 0 : index
    %get3A_18 = arith.constant 0 : index
    %get3A_19 = vector.load %arg5[%get3A_16, %get3A_17, %get3A_18] : memref<200x16x1xf32, #tpu.memory_space<vmem>>, vector<200x16x1xf32>
    %get3A_20 = arith.constant 0 : index
    %get3A_21 = arith.constant 0 : index
    %get3A_22 = arith.constant 0 : index
    %get3A_23 = vector.load %arg6[%get3A_20, %get3A_21, %get3A_22] : memref<200x8x1xf32, #tpu.memory_space<vmem>>, vector<200x8x1xf32>
    %get3A_24 = arith.constant 0 : index
    %get3A_25 = arith.constant 0 : index
    %get3A_26 = vector.load %arg7[%get3A_24, %get3A_25] : memref<128x256xf32, #tpu.memory_space<vmem>>, vector<128x256xf32>
    %get3A_27 = arith.constant 0 : index
    %get3A_28 = arith.constant 0 : index
    %get3A_29 = vector.load %arg8[%get3A_27, %get3A_28] : memref<128x256xf32, #tpu.memory_space<vmem>>, vector<128x256xf32>
    %get3A_30 = arith.constant 0 : index
    %get3A_31 = arith.constant 0 : index
    %get3A_32 = vector.load %arg9[%get3A_30, %get3A_31] : memref<128x256xf32, #tpu.memory_space<vmem>>, vector<128x256xf32>
    %get3A_33 = arith.constant 0 : index
    %get3A_34 = arith.constant 0 : index
    %get3A_35 = vector.load %arg10[%get3A_33, %get3A_34] : memref<128x256xf32, #tpu.memory_space<vmem>>, vector<128x256xf32>
    %get3A_36 = arith.constant 0 : index
    %get3A_37 = arith.constant 0 : index
    %get3A_38 = vector.load %arg11[%get3A_36, %get3A_37] : memref<128x128xf32, #tpu.memory_space<vmem>>, vector<128x128xf32>
    %get3A_39 = arith.constant 0 : index
    %get3A_40 = arith.constant 0 : index
    %get3A_41 = vector.load %arg12[%get3A_39, %get3A_40] : memref<128x256xf32, #tpu.memory_space<vmem>>, vector<128x256xf32>
    %get3A_42 = arith.constant 0 : index
    %get3A_43 = arith.constant 0 : index
    %get3A_44 = vector.load %arg13[%get3A_42, %get3A_43] : memref<128x256xf32, #tpu.memory_space<vmem>>, vector<128x256xf32>
    %get3A_45 = arith.constant 0 : index
    %get3A_46 = arith.constant 0 : index
    %get3A_47 = vector.load %arg14[%get3A_45, %get3A_46] : memref<128x256xf32, #tpu.memory_space<vmem>>, vector<128x256xf32>
    %get3A_48 = arith.constant 0 : index
    %get3A_49 = arith.constant 0 : index
    %get3A_50 = vector.load %arg15[%get3A_48, %get3A_49] : memref<128x256xf32, #tpu.memory_space<vmem>>, vector<128x256xf32>
    %get3A_51 = arith.constant 0 : index
    %get3A_52 = arith.constant 0 : index
    %get3A_53 = vector.load %arg16[%get3A_51, %get3A_52] : memref<128x128xf32, #tpu.memory_space<vmem>>, vector<128x128xf32>
    %get3A_54 = arith.constant 0 : index
    %get3A_55 = arith.constant 0 : index
    %get3A_56 = vector.load %arg17[%get3A_54, %get3A_55] : memref<128x256xf32, #tpu.memory_space<vmem>>, vector<128x256xf32>
    %get3A_57 = arith.constant 0 : index
    %get3A_58 = arith.constant 0 : index
    %get3A_59 = vector.load %arg18[%get3A_57, %get3A_58] : memref<128x128xf32, #tpu.memory_space<vmem>>, vector<128x128xf32>
    %get3A_60 = arith.constant 0 : index
    %get3A_61 = arith.constant 0 : index
    %get3A_62 = vector.load %arg19[%get3A_60, %get3A_61] : memref<6x128xf32, #tpu.memory_space<vmem>>, vector<6x128xf32>
    %slice3A = vector.extract_strided_slice %get3A_62 {offsets = [0, 0], sizes = [1, 128], strides = [1, 1]} : vector<6x128xf32> to vector<1x128xf32>
    %slice3A_63 = vector.extract_strided_slice %get3A_62 {offsets = [1, 0], sizes = [1, 128], strides = [1, 1]} : vector<6x128xf32> to vector<1x128xf32>
    %slice3A_64 = vector.extract_strided_slice %get3A_62 {offsets = [2, 0], sizes = [1, 128], strides = [1, 1]} : vector<6x128xf32> to vector<1x128xf32>
    %slice3A_65 = vector.extract_strided_slice %get3A_62 {offsets = [3, 0], sizes = [1, 128], strides = [1, 1]} : vector<6x128xf32> to vector<1x128xf32>
    %slice3A_66 = vector.extract_strided_slice %get3A_62 {offsets = [4, 0], sizes = [1, 128], strides = [1, 1]} : vector<6x128xf32> to vector<1x128xf32>
    %slice3A_67 = vector.extract_strided_slice %get3A_62 {offsets = [5, 0], sizes = [1, 128], strides = [1, 1]} : vector<6x128xf32> to vector<1x128xf32>
    %dot_general3A = arith.constant dense<0.000000e+00> : vector<200x256xf32>
    %dot_general3A_68 = tpu.matmul %get3A_1, %get3A_29, %dot_general3A {dimension_numbers = #tpu.dot_dimension_numbers<[1], [0], [0], [1], [0, 0, 1, 1], [], []>, transpose_lhs_hint = false} : vector<200x128xf32>, vector<128x256xf32>, vector<200x256xf32> -> vector<200x256xf32>
    %dot_general3A_69 = arith.constant dense<0.000000e+00> : vector<3200x256xf32>
    %dot_general3A_70 = tpu.matmul %reshape3A, %get3A_26, %dot_general3A_69 {dimension_numbers = #tpu.dot_dimension_numbers<[1], [0], [0], [1], [0, 0, 1, 1], [], []>, transpose_lhs_hint = false} : vector<3200x128xf32>, vector<128x256xf32>, vector<3200x256xf32> -> vector<3200x256xf32>
    %dot_general3A_71 = arith.constant dense<0.000000e+00> : vector<3200x256xf32>
    %dot_general3A_72 = tpu.matmul %reshape3A_15, %get3A_32, %dot_general3A_71 {dimension_numbers = #tpu.dot_dimension_numbers<[1], [0], [0], [1], [0, 0, 1, 1], [], []>, transpose_lhs_hint = false} : vector<3200x128xf32>, vector<128x256xf32>, vector<3200x256xf32> -> vector<3200x256xf32>
    %add3A = arith.addf %dot_general3A_70, %dot_general3A_72 : vector<3200x256xf32>
    %reshape3A_73 = vector.shape_cast %add3A : vector<3200x256xf32> to vector<200x16x256xf32>
    %broadcast_in_dim3A = vector.shape_cast %dot_general3A_68 : vector<200x256xf32> to vector<200x1x256xf32>
    %broadcast_in_dim3A_74 = vector.broadcast %broadcast_in_dim3A : vector<200x1x256xf32> to vector<200x16x256xf32>
    %add3A_75 = arith.addf %reshape3A_73, %broadcast_in_dim3A_74 : vector<200x16x256xf32>
    %slice3A_76 = vector.extract_strided_slice %add3A_75 {offsets = [0, 0, 0], sizes = [200, 16, 128], strides = [1, 1, 1]} : vector<200x16x256xf32> to vector<200x16x128xf32>
    %neg3A = arith.constant 0.000000e+00 : f32
    %neg3A_77 = vector.broadcast %neg3A : f32 to vector<200x16x128xf32>
    %neg3A_78 = arith.subf %neg3A_77, %slice3A_76 : vector<200x16x128xf32>
    %exp3A = math.exp %neg3A_78 : vector<200x16x128xf32>
    %add3A_79 = arith.constant 1.000000e+00 : f32
    %add3A_80 = vector.broadcast %add3A_79 : f32 to vector<200x16x128xf32>
    %add3A_81 = arith.addf %add3A_80, %exp3A : vector<200x16x128xf32>
    %div3A = arith.constant 1.000000e+00 : f32
    %div3A_82 = vector.broadcast %div3A : f32 to vector<200x16x128xf32>
    %div3A_83 = arith.divf %div3A_82, %add3A_81 : vector<200x16x128xf32>
    %mul3A = arith.mulf %slice3A_76, %div3A_83 : vector<200x16x128xf32>
    %slice3A_84 = vector.extract_strided_slice %add3A_75 {offsets = [0, 0, 128], sizes = [200, 16, 128], strides = [1, 1, 1]} : vector<200x16x256xf32> to vector<200x16x128xf32>
    %mul3A_85 = arith.mulf %mul3A, %slice3A_84 : vector<200x16x128xf32>
    %reshape3A_86 = vector.shape_cast %mul3A_85 : vector<200x16x128xf32> to vector<3200x128xf32>
    %dot_general3A_87 = arith.constant dense<0.000000e+00> : vector<3200x128xf32>
    %dot_general3A_88 = tpu.matmul %reshape3A_86, %get3A_38, %dot_general3A_87 {dimension_numbers = #tpu.dot_dimension_numbers<[1], [0], [0], [1], [0, 0, 1, 1], [], []>, transpose_lhs_hint = false} : vector<3200x128xf32>, vector<128x128xf32>, vector<3200x128xf32> -> vector<3200x128xf32>
    %add3A_89 = arith.addf %reshape3A, %dot_general3A_88 : vector<3200x128xf32>
    %reduce_sum3A = arith.constant dense<0.000000e+00> : vector<3200xf32>
    %reduce_sum3A_90 = vector.multi_reduction <add>, %add3A_89, %reduce_sum3A [1] : vector<3200x128xf32> to vector<3200xf32>
    %broadcast_in_dim3A_91 = vector.shape_cast %reduce_sum3A_90 : vector<3200xf32> to vector<3200x1xf32>
    %div3A_92 = arith.constant 1.280000e+02 : f32
    %div3A_93 = vector.broadcast %div3A_92 : f32 to vector<3200x1xf32>
    %div3A_94 = arith.divf %broadcast_in_dim3A_91, %div3A_93 : vector<3200x1xf32>
    %sub3A = vector.broadcast %div3A_94 : vector<3200x1xf32> to vector<3200x128xf32>
    %sub3A_95 = arith.subf %add3A_89, %sub3A : vector<3200x128xf32>
    %mul3A_96 = arith.mulf %sub3A_95, %sub3A_95 : vector<3200x128xf32>
    %reduce_sum3A_97 = arith.constant dense<0.000000e+00> : vector<3200xf32>
    %reduce_sum3A_98 = vector.multi_reduction <add>, %mul3A_96, %reduce_sum3A_97 [1] : vector<3200x128xf32> to vector<3200xf32>
    %broadcast_in_dim3A_99 = vector.shape_cast %reduce_sum3A_98 : vector<3200xf32> to vector<3200x1xf32>
    %div3A_100 = arith.constant 1.280000e+02 : f32
    %div3A_101 = vector.broadcast %div3A_100 : f32 to vector<3200x1xf32>
    %div3A_102 = arith.divf %broadcast_in_dim3A_99, %div3A_101 : vector<3200x1xf32>
    %add3A_103 = arith.constant 9.99999974E-6 : f32
    %add3A_104 = vector.broadcast %add3A_103 : f32 to vector<3200x1xf32>
    %add3A_105 = arith.addf %div3A_102, %add3A_104 : vector<3200x1xf32>
    %rsqrt3A = math.rsqrt %add3A_105 : vector<3200x1xf32>
    %mul3A_106 = vector.broadcast %rsqrt3A : vector<3200x1xf32> to vector<3200x128xf32>
    %mul3A_107 = arith.mulf %sub3A_95, %mul3A_106 : vector<3200x128xf32>
    %mul3A_108 = vector.broadcast %slice3A : vector<1x128xf32> to vector<3200x128xf32>
    %mul3A_109 = arith.mulf %mul3A_107, %mul3A_108 : vector<3200x128xf32>
    %add3A_110 = vector.broadcast %slice3A_63 : vector<1x128xf32> to vector<3200x128xf32>
    %add3A_111 = arith.addf %mul3A_109, %add3A_110 : vector<3200x128xf32>
    %dot_general3A_112 = arith.constant dense<0.000000e+00> : vector<1600x256xf32>
    %dot_general3A_113 = tpu.matmul %reshape3A_10, %get3A_35, %dot_general3A_112 {dimension_numbers = #tpu.dot_dimension_numbers<[1], [0], [0], [1], [0, 0, 1, 1], [], []>, transpose_lhs_hint = false} : vector<1600x128xf32>, vector<128x256xf32>, vector<1600x256xf32> -> vector<1600x256xf32>
    %reshape3A_114 = vector.shape_cast %dot_general3A_113 : vector<1600x256xf32> to vector<200x8x256xf32>
    %broadcast_in_dim3A_115 = vector.shape_cast %dot_general3A_68 : vector<200x256xf32> to vector<200x1x256xf32>
    %broadcast_in_dim3A_116 = vector.broadcast %broadcast_in_dim3A_115 : vector<200x1x256xf32> to vector<200x8x256xf32>
    %add3A_117 = arith.addf %reshape3A_114, %broadcast_in_dim3A_116 : vector<200x8x256xf32>
    %slice3A_118 = vector.extract_strided_slice %add3A_117 {offsets = [0, 0, 0], sizes = [200, 8, 128], strides = [1, 1, 1]} : vector<200x8x256xf32> to vector<200x8x128xf32>
    %neg3A_119 = arith.constant 0.000000e+00 : f32
    %neg3A_120 = vector.broadcast %neg3A_119 : f32 to vector<200x8x128xf32>
    %neg3A_121 = arith.subf %neg3A_120, %slice3A_118 : vector<200x8x128xf32>
    %exp3A_122 = math.exp %neg3A_121 : vector<200x8x128xf32>
    %add3A_123 = arith.constant 1.000000e+00 : f32
    %add3A_124 = vector.broadcast %add3A_123 : f32 to vector<200x8x128xf32>
    %add3A_125 = arith.addf %add3A_124, %exp3A_122 : vector<200x8x128xf32>
    %div3A_126 = arith.constant 1.000000e+00 : f32
    %div3A_127 = vector.broadcast %div3A_126 : f32 to vector<200x8x128xf32>
    %div3A_128 = arith.divf %div3A_127, %add3A_125 : vector<200x8x128xf32>
    %mul3A_129 = arith.mulf %slice3A_118, %div3A_128 : vector<200x8x128xf32>
    %slice3A_130 = vector.extract_strided_slice %add3A_117 {offsets = [0, 0, 128], sizes = [200, 8, 128], strides = [1, 1, 1]} : vector<200x8x256xf32> to vector<200x8x128xf32>
    %mul3A_131 = arith.mulf %mul3A_129, %slice3A_130 : vector<200x8x128xf32>
    %reshape3A_132 = vector.shape_cast %mul3A_131 : vector<200x8x128xf32> to vector<1600x128xf32>
    %dot_general3A_133 = arith.constant dense<0.000000e+00> : vector<1600x128xf32>
    %dot_general3A_134 = tpu.matmul %reshape3A_132, %get3A_38, %dot_general3A_133 {dimension_numbers = #tpu.dot_dimension_numbers<[1], [0], [0], [1], [0, 0, 1, 1], [], []>, transpose_lhs_hint = false} : vector<1600x128xf32>, vector<128x128xf32>, vector<1600x128xf32> -> vector<1600x128xf32>
    %add3A_135 = arith.addf %reshape3A_10, %dot_general3A_134 : vector<1600x128xf32>
    %reduce_sum3A_136 = arith.constant dense<0.000000e+00> : vector<1600xf32>
    %reduce_sum3A_137 = vector.multi_reduction <add>, %add3A_135, %reduce_sum3A_136 [1] : vector<1600x128xf32> to vector<1600xf32>
    %broadcast_in_dim3A_138 = vector.shape_cast %reduce_sum3A_137 : vector<1600xf32> to vector<1600x1xf32>
    %div3A_139 = arith.constant 1.280000e+02 : f32
    %div3A_140 = vector.broadcast %div3A_139 : f32 to vector<1600x1xf32>
    %div3A_141 = arith.divf %broadcast_in_dim3A_138, %div3A_140 : vector<1600x1xf32>
    %sub3A_142 = vector.broadcast %div3A_141 : vector<1600x1xf32> to vector<1600x128xf32>
    %sub3A_143 = arith.subf %add3A_135, %sub3A_142 : vector<1600x128xf32>
    %mul3A_144 = arith.mulf %sub3A_143, %sub3A_143 : vector<1600x128xf32>
    %reduce_sum3A_145 = arith.constant dense<0.000000e+00> : vector<1600xf32>
    %reduce_sum3A_146 = vector.multi_reduction <add>, %mul3A_144, %reduce_sum3A_145 [1] : vector<1600x128xf32> to vector<1600xf32>
    %broadcast_in_dim3A_147 = vector.shape_cast %reduce_sum3A_146 : vector<1600xf32> to vector<1600x1xf32>
    %div3A_148 = arith.constant 1.280000e+02 : f32
    %div3A_149 = vector.broadcast %div3A_148 : f32 to vector<1600x1xf32>
    %div3A_150 = arith.divf %broadcast_in_dim3A_147, %div3A_149 : vector<1600x1xf32>
    %add3A_151 = arith.constant 9.99999974E-6 : f32
    %add3A_152 = vector.broadcast %add3A_151 : f32 to vector<1600x1xf32>
    %add3A_153 = arith.addf %div3A_150, %add3A_152 : vector<1600x1xf32>
    %rsqrt3A_154 = math.rsqrt %add3A_153 : vector<1600x1xf32>
    %mul3A_155 = vector.broadcast %rsqrt3A_154 : vector<1600x1xf32> to vector<1600x128xf32>
    %mul3A_156 = arith.mulf %sub3A_143, %mul3A_155 : vector<1600x128xf32>
    %mul3A_157 = vector.broadcast %slice3A : vector<1x128xf32> to vector<1600x128xf32>
    %mul3A_158 = arith.mulf %mul3A_156, %mul3A_157 : vector<1600x128xf32>
    %add3A_159 = vector.broadcast %slice3A_63 : vector<1x128xf32> to vector<1600x128xf32>
    %add3A_160 = arith.addf %mul3A_158, %add3A_159 : vector<1600x128xf32>
    %dot_general3A_161 = arith.constant dense<0.000000e+00> : vector<200x256xf32>
    %dot_general3A_162 = tpu.matmul %get3A_1, %get3A_44, %dot_general3A_161 {dimension_numbers = #tpu.dot_dimension_numbers<[1], [0], [0], [1], [0, 0, 1, 1], [], []>, transpose_lhs_hint = false} : vector<200x128xf32>, vector<128x256xf32>, vector<200x256xf32> -> vector<200x256xf32>
    %dot_general3A_163 = arith.constant dense<0.000000e+00> : vector<3200x256xf32>
    %dot_general3A_164 = tpu.matmul %add3A_111, %get3A_41, %dot_general3A_163 {dimension_numbers = #tpu.dot_dimension_numbers<[1], [0], [0], [1], [0, 0, 1, 1], [], []>, transpose_lhs_hint = false} : vector<3200x128xf32>, vector<128x256xf32>, vector<3200x256xf32> -> vector<3200x256xf32>
    %dot_general3A_165 = arith.constant dense<0.000000e+00> : vector<3200x256xf32>
    %dot_general3A_166 = tpu.matmul %reshape3A_15, %get3A_47, %dot_general3A_165 {dimension_numbers = #tpu.dot_dimension_numbers<[1], [0], [0], [1], [0, 0, 1, 1], [], []>, transpose_lhs_hint = false} : vector<3200x128xf32>, vector<128x256xf32>, vector<3200x256xf32> -> vector<3200x256xf32>
    %add3A_167 = arith.addf %dot_general3A_164, %dot_general3A_166 : vector<3200x256xf32>
    %reshape3A_168 = vector.shape_cast %add3A_167 : vector<3200x256xf32> to vector<200x16x256xf32>
    %broadcast_in_dim3A_169 = vector.shape_cast %dot_general3A_162 : vector<200x256xf32> to vector<200x1x256xf32>
    %broadcast_in_dim3A_170 = vector.broadcast %broadcast_in_dim3A_169 : vector<200x1x256xf32> to vector<200x16x256xf32>
    %add3A_171 = arith.addf %reshape3A_168, %broadcast_in_dim3A_170 : vector<200x16x256xf32>
    %slice3A_172 = vector.extract_strided_slice %add3A_171 {offsets = [0, 0, 0], sizes = [200, 16, 128], strides = [1, 1, 1]} : vector<200x16x256xf32> to vector<200x16x128xf32>
    %neg3A_173 = arith.constant 0.000000e+00 : f32
    %neg3A_174 = vector.broadcast %neg3A_173 : f32 to vector<200x16x128xf32>
    %neg3A_175 = arith.subf %neg3A_174, %slice3A_172 : vector<200x16x128xf32>
    %exp3A_176 = math.exp %neg3A_175 : vector<200x16x128xf32>
    %add3A_177 = arith.constant 1.000000e+00 : f32
    %add3A_178 = vector.broadcast %add3A_177 : f32 to vector<200x16x128xf32>
    %add3A_179 = arith.addf %add3A_178, %exp3A_176 : vector<200x16x128xf32>
    %div3A_180 = arith.constant 1.000000e+00 : f32
    %div3A_181 = vector.broadcast %div3A_180 : f32 to vector<200x16x128xf32>
    %div3A_182 = arith.divf %div3A_181, %add3A_179 : vector<200x16x128xf32>
    %mul3A_183 = arith.mulf %slice3A_172, %div3A_182 : vector<200x16x128xf32>
    %slice3A_184 = vector.extract_strided_slice %add3A_171 {offsets = [0, 0, 128], sizes = [200, 16, 128], strides = [1, 1, 1]} : vector<200x16x256xf32> to vector<200x16x128xf32>
    %mul3A_185 = arith.mulf %mul3A_183, %slice3A_184 : vector<200x16x128xf32>
    %mul3A_186 = vector.broadcast %get3A_19 : vector<200x16x1xf32> to vector<200x16x128xf32>
    %mul3A_187 = arith.mulf %mul3A_185, %mul3A_186 : vector<200x16x128xf32>
    %reduce_sum3A_188 = arith.constant dense<0.000000e+00> : vector<200x128xf32>
    %reduce_sum3A_189 = vector.multi_reduction <add>, %mul3A_187, %reduce_sum3A_188 [1] : vector<200x16x128xf32> to vector<200x128xf32>
    %dot_general3A_190 = arith.constant dense<0.000000e+00> : vector<1600x256xf32>
    %dot_general3A_191 = tpu.matmul %add3A_160, %get3A_50, %dot_general3A_190 {dimension_numbers = #tpu.dot_dimension_numbers<[1], [0], [0], [1], [0, 0, 1, 1], [], []>, transpose_lhs_hint = false} : vector<1600x128xf32>, vector<128x256xf32>, vector<1600x256xf32> -> vector<1600x256xf32>
    %reshape3A_192 = vector.shape_cast %dot_general3A_191 : vector<1600x256xf32> to vector<200x8x256xf32>
    %broadcast_in_dim3A_193 = vector.shape_cast %dot_general3A_162 : vector<200x256xf32> to vector<200x1x256xf32>
    %broadcast_in_dim3A_194 = vector.broadcast %broadcast_in_dim3A_193 : vector<200x1x256xf32> to vector<200x8x256xf32>
    %add3A_195 = arith.addf %reshape3A_192, %broadcast_in_dim3A_194 : vector<200x8x256xf32>
    %slice3A_196 = vector.extract_strided_slice %add3A_195 {offsets = [0, 0, 0], sizes = [200, 8, 128], strides = [1, 1, 1]} : vector<200x8x256xf32> to vector<200x8x128xf32>
    %neg3A_197 = arith.constant 0.000000e+00 : f32
    %neg3A_198 = vector.broadcast %neg3A_197 : f32 to vector<200x8x128xf32>
    %neg3A_199 = arith.subf %neg3A_198, %slice3A_196 : vector<200x8x128xf32>
    %exp3A_200 = math.exp %neg3A_199 : vector<200x8x128xf32>
    %add3A_201 = arith.constant 1.000000e+00 : f32
    %add3A_202 = vector.broadcast %add3A_201 : f32 to vector<200x8x128xf32>
    %add3A_203 = arith.addf %add3A_202, %exp3A_200 : vector<200x8x128xf32>
    %div3A_204 = arith.constant 1.000000e+00 : f32
    %div3A_205 = vector.broadcast %div3A_204 : f32 to vector<200x8x128xf32>
    %div3A_206 = arith.divf %div3A_205, %add3A_203 : vector<200x8x128xf32>
    %mul3A_207 = arith.mulf %slice3A_196, %div3A_206 : vector<200x8x128xf32>
    %slice3A_208 = vector.extract_strided_slice %add3A_195 {offsets = [0, 0, 128], sizes = [200, 8, 128], strides = [1, 1, 1]} : vector<200x8x256xf32> to vector<200x8x128xf32>
    %mul3A_209 = arith.mulf %mul3A_207, %slice3A_208 : vector<200x8x128xf32>
    %mul3A_210 = vector.broadcast %get3A_23 : vector<200x8x1xf32> to vector<200x8x128xf32>
    %mul3A_211 = arith.mulf %mul3A_209, %mul3A_210 : vector<200x8x128xf32>
    %reduce_sum3A_212 = arith.constant dense<0.000000e+00> : vector<200x128xf32>
    %reduce_sum3A_213 = vector.multi_reduction <add>, %mul3A_211, %reduce_sum3A_212 [1] : vector<200x8x128xf32> to vector<200x128xf32>
    %add3A_214 = arith.addf %reduce_sum3A_189, %reduce_sum3A_213 : vector<200x128xf32>
    %dot_general3A_215 = arith.constant dense<0.000000e+00> : vector<200x128xf32>
    %dot_general3A_216 = tpu.matmul %add3A_214, %get3A_53, %dot_general3A_215 {dimension_numbers = #tpu.dot_dimension_numbers<[1], [0], [0], [1], [0, 0, 1, 1], [], []>, transpose_lhs_hint = false} : vector<200x128xf32>, vector<128x128xf32>, vector<200x128xf32> -> vector<200x128xf32>
    %mul3A_217 = arith.constant 0.0416666679 : f32
    %mul3A_218 = vector.broadcast %mul3A_217 : f32 to vector<200x128xf32>
    %mul3A_219 = arith.mulf %dot_general3A_216, %mul3A_218 : vector<200x128xf32>
    %add3A_220 = arith.addf %get3A_1, %mul3A_219 : vector<200x128xf32>
    %reduce_sum3A_221 = arith.constant dense<0.000000e+00> : vector<200xf32>
    %reduce_sum3A_222 = vector.multi_reduction <add>, %add3A_220, %reduce_sum3A_221 [1] : vector<200x128xf32> to vector<200xf32>
    %broadcast_in_dim3A_223 = vector.shape_cast %reduce_sum3A_222 : vector<200xf32> to vector<200x1xf32>
    %div3A_224 = arith.constant 1.280000e+02 : f32
    %div3A_225 = vector.broadcast %div3A_224 : f32 to vector<200x1xf32>
    %div3A_226 = arith.divf %broadcast_in_dim3A_223, %div3A_225 : vector<200x1xf32>
    %sub3A_227 = vector.broadcast %div3A_226 : vector<200x1xf32> to vector<200x128xf32>
    %sub3A_228 = arith.subf %add3A_220, %sub3A_227 : vector<200x128xf32>
    %mul3A_229 = arith.mulf %sub3A_228, %sub3A_228 : vector<200x128xf32>
    %reduce_sum3A_230 = arith.constant dense<0.000000e+00> : vector<200xf32>
    %reduce_sum3A_231 = vector.multi_reduction <add>, %mul3A_229, %reduce_sum3A_230 [1] : vector<200x128xf32> to vector<200xf32>
    %broadcast_in_dim3A_232 = vector.shape_cast %reduce_sum3A_231 : vector<200xf32> to vector<200x1xf32>
    %div3A_233 = arith.constant 1.280000e+02 : f32
    %div3A_234 = vector.broadcast %div3A_233 : f32 to vector<200x1xf32>
    %div3A_235 = arith.divf %broadcast_in_dim3A_232, %div3A_234 : vector<200x1xf32>
    %add3A_236 = arith.constant 9.99999974E-6 : f32
    %add3A_237 = vector.broadcast %add3A_236 : f32 to vector<200x1xf32>
    %add3A_238 = arith.addf %div3A_235, %add3A_237 : vector<200x1xf32>
    %rsqrt3A_239 = math.rsqrt %add3A_238 : vector<200x1xf32>
    %mul3A_240 = vector.broadcast %rsqrt3A_239 : vector<200x1xf32> to vector<200x128xf32>
    %mul3A_241 = arith.mulf %sub3A_228, %mul3A_240 : vector<200x128xf32>
    %mul3A_242 = vector.broadcast %slice3A_64 : vector<1x128xf32> to vector<200x128xf32>
    %mul3A_243 = arith.mulf %mul3A_241, %mul3A_242 : vector<200x128xf32>
    %add3A_244 = vector.broadcast %slice3A_65 : vector<1x128xf32> to vector<200x128xf32>
    %add3A_245 = arith.addf %mul3A_243, %add3A_244 : vector<200x128xf32>
    %dot_general3A_246 = arith.constant dense<0.000000e+00> : vector<200x256xf32>
    %dot_general3A_247 = tpu.matmul %add3A_245, %get3A_56, %dot_general3A_246 {dimension_numbers = #tpu.dot_dimension_numbers<[1], [0], [0], [1], [0, 0, 1, 1], [], []>, transpose_lhs_hint = false} : vector<200x128xf32>, vector<128x256xf32>, vector<200x256xf32> -> vector<200x256xf32>
    %slice3A_248 = vector.extract_strided_slice %dot_general3A_247 {offsets = [0, 0], sizes = [200, 128], strides = [1, 1]} : vector<200x256xf32> to vector<200x128xf32>
    %neg3A_249 = arith.constant 0.000000e+00 : f32
    %neg3A_250 = vector.broadcast %neg3A_249 : f32 to vector<200x128xf32>
    %neg3A_251 = arith.subf %neg3A_250, %slice3A_248 : vector<200x128xf32>
    %exp3A_252 = math.exp %neg3A_251 : vector<200x128xf32>
    %add3A_253 = arith.constant 1.000000e+00 : f32
    %add3A_254 = vector.broadcast %add3A_253 : f32 to vector<200x128xf32>
    %add3A_255 = arith.addf %add3A_254, %exp3A_252 : vector<200x128xf32>
    %div3A_256 = arith.constant 1.000000e+00 : f32
    %div3A_257 = vector.broadcast %div3A_256 : f32 to vector<200x128xf32>
    %div3A_258 = arith.divf %div3A_257, %add3A_255 : vector<200x128xf32>
    %mul3A_259 = arith.mulf %slice3A_248, %div3A_258 : vector<200x128xf32>
    %slice3A_260 = vector.extract_strided_slice %dot_general3A_247 {offsets = [0, 128], sizes = [200, 128], strides = [1, 1]} : vector<200x256xf32> to vector<200x128xf32>
    %mul3A_261 = arith.mulf %mul3A_259, %slice3A_260 : vector<200x128xf32>
    %dot_general3A_262 = arith.constant dense<0.000000e+00> : vector<200x128xf32>
    %dot_general3A_263 = tpu.matmul %mul3A_261, %get3A_59, %dot_general3A_262 {dimension_numbers = #tpu.dot_dimension_numbers<[1], [0], [0], [1], [0, 0, 1, 1], [], []>, transpose_lhs_hint = false} : vector<200x128xf32>, vector<128x128xf32>, vector<200x128xf32> -> vector<200x128xf32>
    %add3A_264 = arith.addf %add3A_245, %dot_general3A_263 : vector<200x128xf32>
    %reduce_sum3A_265 = arith.constant dense<0.000000e+00> : vector<200xf32>
    %reduce_sum3A_266 = vector.multi_reduction <add>, %add3A_264, %reduce_sum3A_265 [1] : vector<200x128xf32> to vector<200xf32>
    %broadcast_in_dim3A_267 = vector.shape_cast %reduce_sum3A_266 : vector<200xf32> to vector<200x1xf32>
    %div3A_268 = arith.constant 1.280000e+02 : f32
    %div3A_269 = vector.broadcast %div3A_268 : f32 to vector<200x1xf32>
    %div3A_270 = arith.divf %broadcast_in_dim3A_267, %div3A_269 : vector<200x1xf32>
    %sub3A_271 = vector.broadcast %div3A_270 : vector<200x1xf32> to vector<200x128xf32>
    %sub3A_272 = arith.subf %add3A_264, %sub3A_271 : vector<200x128xf32>
    %mul3A_273 = arith.mulf %sub3A_272, %sub3A_272 : vector<200x128xf32>
    %reduce_sum3A_274 = arith.constant dense<0.000000e+00> : vector<200xf32>
    %reduce_sum3A_275 = vector.multi_reduction <add>, %mul3A_273, %reduce_sum3A_274 [1] : vector<200x128xf32> to vector<200xf32>
    %broadcast_in_dim3A_276 = vector.shape_cast %reduce_sum3A_275 : vector<200xf32> to vector<200x1xf32>
    %div3A_277 = arith.constant 1.280000e+02 : f32
    %div3A_278 = vector.broadcast %div3A_277 : f32 to vector<200x1xf32>
    %div3A_279 = arith.divf %broadcast_in_dim3A_276, %div3A_278 : vector<200x1xf32>
    %add3A_280 = arith.constant 9.99999974E-6 : f32
    %add3A_281 = vector.broadcast %add3A_280 : f32 to vector<200x1xf32>
    %add3A_282 = arith.addf %div3A_279, %add3A_281 : vector<200x1xf32>
    %rsqrt3A_283 = math.rsqrt %add3A_282 : vector<200x1xf32>
    %mul3A_284 = vector.broadcast %rsqrt3A_283 : vector<200x1xf32> to vector<200x128xf32>
    %mul3A_285 = arith.mulf %sub3A_272, %mul3A_284 : vector<200x128xf32>
    %mul3A_286 = vector.broadcast %slice3A_66 : vector<1x128xf32> to vector<200x128xf32>
    %mul3A_287 = arith.mulf %mul3A_285, %mul3A_286 : vector<200x128xf32>
    %add3A_288 = vector.broadcast %slice3A_67 : vector<1x128xf32> to vector<200x128xf32>
    %add3A_289 = arith.addf %mul3A_287, %add3A_288 : vector<200x128xf32>
    %swap3A = arith.constant 0 : index
    %swap3A_290 = arith.constant 0 : index
    %swap3A_291 = vector.load %arg20[%swap3A, %swap3A_290] : memref<200x128xf32, #tpu.memory_space<vmem>>, vector<200x128xf32>
    tpu.vector_store %arg20[%swap3A, %swap3A_290], %add3A_289 {strides = array<i32>} : memref<200x128xf32, #tpu.memory_space<vmem>>, vector<200x128xf32>,
    %reshape3A_292 = vector.shape_cast %add3A_111 : vector<3200x128xf32> to vector<200x16x128xf32>
    %swap3A_293 = arith.constant 0 : index
    %swap3A_294 = arith.constant 0 : index
    %swap3A_295 = arith.constant 0 : index
    %swap3A_296 = vector.load %arg21[%swap3A_293, %swap3A_294, %swap3A_295] : memref<200x16x128xf32, #tpu.memory_space<vmem>>, vector<200x16x128xf32>
    tpu.vector_store %arg21[%swap3A_293, %swap3A_294, %swap3A_295], %reshape3A_292 {strides = array<i32>} : memref<200x16x128xf32, #tpu.memory_space<vmem>>, vector<200x16x128xf32>,
    %reshape3A_297 = vector.shape_cast %add3A_160 : vector<1600x128xf32> to vector<200x8x128xf32>
    %swap3A_298 = arith.constant 0 : index
    %swap3A_299 = arith.constant 0 : index
    %swap3A_300 = arith.constant 0 : index
    %swap3A_301 = vector.load %arg22[%swap3A_298, %swap3A_299, %swap3A_300] : memref<200x8x128xf32, #tpu.memory_space<vmem>>, vector<200x8x128xf32>
    tpu.vector_store %arg22[%swap3A_298, %swap3A_299, %swap3A_300], %reshape3A_297 {strides = array<i32>} : memref<200x8x128xf32, #tpu.memory_space<vmem>>, vector<200x8x128xf32>,
    return
  }
  func.func @transform_0(%arg0: i32) -> (i32, i32) {
    %c0_i32 = arith.constant 0 : i32
    %c0_i32_0 = arith.constant 0 : i32
    return %arg0, %c0_i32 : i32, i32
  }
  func.func @transform_1(%arg0: i32) -> (i32, i32, i32) {
    %c0_i32 = arith.constant 0 : i32
    %c0_i32_0 = arith.constant 0 : i32
    %c0_i32_1 = arith.constant 0 : i32
    return %arg0, %c0_i32, %c0_i32_0 : i32, i32, i32
  }
  func.func @transform_2(%arg0: i32) -> (i32, i32, i32) {
    %c0_i32 = arith.constant 0 : i32
    %c0_i32_0 = arith.constant 0 : i32
    %c0_i32_1 = arith.constant 0 : i32
    return %arg0, %c0_i32, %c0_i32_0 : i32, i32, i32
  }
  func.func @transform_3(%arg0: i32) -> (i32, i32, i32) {
    %c0_i32 = arith.constant 0 : i32
    %c0_i32_0 = arith.constant 0 : i32
    %c0_i32_1 = arith.constant 0 : i32
    return %arg0, %c0_i32, %c0_i32_0 : i32, i32, i32
  }
  func.func @transform_4(%arg0: i32) -> (i32, i32, i32) {
    %c0_i32 = arith.constant 0 : i32
    %c0_i32_0 = arith.constant 0 : i32
    %c0_i32_1 = arith.constant 0 : i32
    return %arg0, %c0_i32, %c0_i32_0 : i32, i32, i32
  }
  func.func @transform_5(%arg0: i32) -> (i32, i32, i32) {
    %c0_i32 = arith.constant 0 : i32
    %c0_i32_0 = arith.constant 0 : i32
    %c0_i32_1 = arith.constant 0 : i32
    return %arg0, %c0_i32, %c0_i32_0 : i32, i32, i32
  }
  func.func @transform_6(%arg0: i32) -> (i32, i32) {
    %c0_i32 = arith.constant 0 : i32
    %c0_i32_0 = arith.constant 0 : i32
    %c0_i32_1 = arith.constant 0 : i32
    return %c0_i32, %c0_i32_0 : i32, i32
  }
  func.func @transform_7(%arg0: i32) -> (i32, i32) {
    %c0_i32 = arith.constant 0 : i32
    %c0_i32_0 = arith.constant 0 : i32
    %c0_i32_1 = arith.constant 0 : i32
    return %c0_i32, %c0_i32_0 : i32, i32
  }
  func.func @transform_8(%arg0: i32) -> (i32, i32) {
    %c0_i32 = arith.constant 0 : i32
    %c0_i32_0 = arith.constant 0 : i32
    %c0_i32_1 = arith.constant 0 : i32
    return %c0_i32, %c0_i32_0 : i32, i32
  }
  func.func @transform_9(%arg0: i32) -> (i32, i32) {
    %c0_i32 = arith.constant 0 : i32
    %c0_i32_0 = arith.constant 0 : i32
    %c0_i32_1 = arith.constant 0 : i32
    return %c0_i32, %c0_i32_0 : i32, i32
  }
  func.func @transform_10(%arg0: i32) -> (i32, i32) {
    %c0_i32 = arith.constant 0 : i32
    %c0_i32_0 = arith.constant 0 : i32
    %c0_i32_1 = arith.constant 0 : i32
    return %c0_i32, %c0_i32_0 : i32, i32
  }
  func.func @transform_11(%arg0: i32) -> (i32, i32) {
    %c0_i32 = arith.constant 0 : i32
    %c0_i32_0 = arith.constant 0 : i32
    %c0_i32_1 = arith.constant 0 : i32
    return %c0_i32, %c0_i32_0 : i32, i32
  }
  func.func @transform_12(%arg0: i32) -> (i32, i32) {
    %c0_i32 = arith.constant 0 : i32
    %c0_i32_0 = arith.constant 0 : i32
    %c0_i32_1 = arith.constant 0 : i32
    return %c0_i32, %c0_i32_0 : i32, i32
  }
  func.func @transform_13(%arg0: i32) -> (i32, i32) {
    %c0_i32 = arith.constant 0 : i32
    %c0_i32_0 = arith.constant 0 : i32
    %c0_i32_1 = arith.constant 0 : i32
    return %c0_i32, %c0_i32_0 : i32, i32
  }
  func.func @transform_14(%arg0: i32) -> (i32, i32) {
    %c0_i32 = arith.constant 0 : i32
    %c0_i32_0 = arith.constant 0 : i32
    %c0_i32_1 = arith.constant 0 : i32
    return %c0_i32, %c0_i32_0 : i32, i32
  }
  func.func @transform_15(%arg0: i32) -> (i32, i32) {
    %c0_i32 = arith.constant 0 : i32
    %c0_i32_0 = arith.constant 0 : i32
    %c0_i32_1 = arith.constant 0 : i32
    return %c0_i32, %c0_i32_0 : i32, i32
  }
  func.func @transform_16(%arg0: i32) -> (i32, i32) {
    %c0_i32 = arith.constant 0 : i32
    %c0_i32_0 = arith.constant 0 : i32
    %c0_i32_1 = arith.constant 0 : i32
    return %c0_i32, %c0_i32_0 : i32, i32
  }
  func.func @transform_17(%arg0: i32) -> (i32, i32) {
    %c0_i32 = arith.constant 0 : i32
    %c0_i32_0 = arith.constant 0 : i32
    %c0_i32_1 = arith.constant 0 : i32
    return %c0_i32, %c0_i32_0 : i32, i32
  }
  func.func @transform_18(%arg0: i32) -> (i32, i32) {
    %c0_i32 = arith.constant 0 : i32
    %c0_i32_0 = arith.constant 0 : i32
    %c0_i32_1 = arith.constant 0 : i32
    return %c0_i32, %c0_i32_0 : i32, i32
  }
  func.func @transform_19(%arg0: i32) -> (i32, i32) {
    %c0_i32 = arith.constant 0 : i32
    %c0_i32_0 = arith.constant 0 : i32
    return %arg0, %c0_i32 : i32, i32
  }
  func.func @transform_20(%arg0: i32) -> (i32, i32, i32) {
    %c0_i32 = arith.constant 0 : i32
    %c0_i32_0 = arith.constant 0 : i32
    %c0_i32_1 = arith.constant 0 : i32
    return %arg0, %c0_i32, %c0_i32_0 : i32, i32, i32
  }
  func.func @transform_21(%arg0: i32) -> (i32, i32, i32) {
    %c0_i32 = arith.constant 0 : i32
    %c0_i32_0 = arith.constant 0 : i32
    %c0_i32_1 = arith.constant 0 : i32
    return %arg0, %c0_i32, %c0_i32_0 : i32, i32, i32
  }
}

</mosaic_0001>

<sc_bundles>
// kernel: kernel.4.cloned.1.call-start
scs
__scs_entry_jumppad:
0x0: {  	(pc) =	sbr.rel $0x88, $3  }
0x1: {  	(tag) =	ssettag $0x0;
	lr =	simm.s32 $0x1  }
0x2: {  	[smem:$0x3F8A] =	sst lr;
	_ =	strace $0xD0000000  }
0x3: {  	_ = 	snop  }
0x4: {  	_ = 	snop  }
0x5: {  	_ = 	snop  }
0x6: {  	_ = 	snop  }
0x7: {  	_ = 	snop  }
__scs_overlays_trampoline_lowered:
0x8: {  	[smem:$0x3F99] =	sst s0  }
0x9: {  	[smem:$0x3F9A] =	sst s1  }
0xa: {  	[smem:$0x3F9B] =	sst s2  }
0xb: {  	[smem:$0x3F9C] =	sst s3  }
0xc: {  	[smem:$0x3F9D] =	sst s4  }
0xd: {  	[smem:$0x3F9E] =	sst s5  }
0xe: {  	[smem:$0x3F9F] =	sst s6  }
0xf: {  	[smem:$0x3FA0] =	sst s7  }
0x10: {  	[smem:$0x3FA1] =	sst s8  }
0x11: {  	[smem:$0x3FA2] =	sst s9;
	s0 =	simm.s32 @!p0 $0x0  }
0x12: {  	s1 =	sld [smem:$0x3F88];
	s0 =	simm.s32 @p0 $0x1  }
0x13: {  	[smem:$0x3FA3] =	sst s0;
	s0 =	simm.s32 @!p1 $0x0  }
0x14: {  	s2 =	sld [smem:$0x3F87];
	s0 =	simm.s32 @p1 $0x1  }
0x15: {  	[smem:$0x3FA4] =	sst s0;
	s0 =	simm.s32 @!p2 $0x0  }
0x16: {  	s3 =	sld [smem:$0x3FDB];
	s0 =	simm.s32 @p2 $0x1  }
0x17: {  	s4 =	simm.s32 $0x1BF5;
	[smem:$0x3FA6] =	sst s0  }
0x18: {  	s0 =	sld [smem:$0x3F89];
	_ =	swait.ge [sflag:s4], $0x0  }
0x19: {  	s7 =	sld [smem:$0x3F8A]  }
0x1a: {  	s8 =	sadd.s32 $0xFFFFE003, lr  }
0x1b: {  	s9 =	sadd.s32 $0xFFFFFEF7, lr;
	s5 =	simm.s32 $0xFFFFFFFF;
	p2 =	slt.u32 s8, $0xFFFFF086  }
0x1c: {  	p1 =	slt.u32 s9, $0xF7A;
	s5 =	simm.s32 @!p2 $0x0  }
0x1d: {  	s5 =	simm.s32 @p1 $0x1;
	p0 =	seq.s32 s7, s2  }
0x1e: {  	s7 =	smul.u32 @!p0 $0xF7A, s2;
	p2 =	seq.s32 @!p0 s5, $0x0  }
0x1f: {  	s9 =	smul.u32 $0xF7A, s1;
	s8 =	simm.s32 @!p0 $0x1BF5;
	p2 =	por !p2, p0  }
0x20: {  	[sflag:s8] =	ssyncset.s32 @!p0 $0xFFFFF086;
	s6 =	sadd.s32 @!p0 s3, s7;
	s7 =	simm.s32 @!p0 $0x108  }
0x21: {  	s3 =	sadd.s32 s3, s9;
	s6 =	sadd.s32 @!p0 $0x88, s6;
	s7 =	simm.s32 @p2 $0x1082  }
0x22: {  	[simem:s7], [sflag:s8] =	dma.local @!p0 [hbm:s6], $0xF7A  }
0x23: {  	s9 =	sor.u32 $0xD0000000, s2;
	s6 =	simm.s32 $0x108;
	_ =	swait.ge @!p0 [sflag:s8], $0x0  }
0x24: {  	s3 =	sadd.s32 $0x88, s3;
	s6 =	simm.s32 @!p1 $0x1082;
	[sflag:s4] =	ssyncset.s32 $0xFFFFF086  }
0x25: {  	[simem:s6], [sflag:s4] =	dma.local [hbm:s3], $0xF7A  }
0x26: {  	[smem:$0x3F8A] =	sst s1;
	(tag) =	ssettag s2;
	_ =	strace s9  }
0x27: {  	s1 =	sld [smem:$0x3F9A]  }
0x28: {  	s2 =	sld [smem:$0x3F9B]  }
0x29: {  	s4 =	sld [smem:$0x3F9D]  }
0x2a: {  	p0 =	seq.s32 s5, $0x0;
	s5 =	sld [smem:$0x3F9E]  }
0x2b: {  	s6 =	sld [smem:$0x3F9F]  }
0x2c: {  	s7 =	sld [smem:$0x3FA0]  }
0x2d: {  	s3 =	simm.s32 $0x108;
	s8 =	sld [smem:$0x3FA1]  }
0x2e: {  	s3 =	simm.s32 @!p0 $0x1082;
	s9 =	sld [smem:$0x3FA2]  }
0x2f: {  	lr =	sadd.s32 s0, s3;
	s0 =	sld [smem:$0x3F99]  }
0x30: {  	s3 =	sld [smem:$0x3F9C]  }
0x31: {  	[smem:$0x3FA5] =	sst s10  }
0x32: {  	s10 =	sld [smem:$0x3FA3];
	_ =	sdelay $0x3  }
0x33: {  	p0 =	seq.s32 s10, $0x1;
	s10 =	sld [smem:$0x3FA5];
	_ =	sdelay $0x3  }
0x34: {  	[smem:$0x3FA5] =	sst s10  }
0x35: {  	s10 =	sld [smem:$0x3FA4];
	_ =	sdelay $0x3  }
0x36: {  	p1 =	seq.s32 s10, $0x1;
	s10 =	sld [smem:$0x3FA5];
	_ =	sdelay $0x3  }
0x37: {  	[smem:$0x3FA5] =	sst s10  }
0x38: {  	s10 =	sld [smem:$0x3FA6]  }
0x39: {  	_ = 	snop;
	(pc) =	sbr.ind lr, $3  }
0x3a: {  	_ = 	snop  }
0x3b: {  	_ = 	snop  }
0x3c: {  	p2 =	seq.s32 s10, $0x1;
	s10 =	sld [smem:$0x3FA5]  }
0x3d: {  	_ =	shalt  }
0x3e: {  	_ =	shalt  }
0x3f: {  	_ =	shalt  }
0x40: {  	_ =	shalt  }
0x41: {  	_ =	shalt  }
0x42: {  	_ =	shalt  }
0x43: {  	_ =	shalt  }
0x44: {  	_ =	shalt  }
0x45: {  	_ =	shalt  }
0x46: {  	_ =	shalt  }
0x47: {  	_ =	shalt  }
0x48: {  	_ =	shalt  }
0x49: {  	_ =	shalt  }
0x4a: {  	_ =	shalt  }
0x4b: {  	_ =	shalt  }
0x4c: {  	_ =	shalt  }
0x4d: {  	_ =	shalt  }
0x4e: {  	_ =	shalt  }
0x4f: {  	_ =	shalt  }
0x50: {  	_ =	shalt  }
0x51: {  	_ =	shalt  }
0x52: {  	_ =	shalt  }
0x53: {  	_ =	shalt  }
0x54: {  	_ =	shalt  }
0x55: {  	_ =	shalt  }
0x56: {  	_ =	shalt  }
0x57: {  	_ =	shalt  }
0x58: {  	_ =	shalt  }
0x59: {  	_ =	shalt  }
0x5a: {  	_ =	shalt  }
0x5b: {  	_ =	shalt  }
0x5c: {  	_ =	shalt  }
0x5d: {  	_ =	shalt  }
0x5e: {  	_ =	shalt  }
0x5f: {  	_ =	shalt  }
0x60: {  	_ =	shalt  }
0x61: {  	_ =	shalt  }
0x62: {  	_ =	shalt  }
0x63: {  	_ =	shalt  }
0x64: {  	_ =	shalt  }
0x65: {  	_ =	shalt  }
0x66: {  	_ =	shalt  }
0x67: {  	_ =	shalt  }
0x68: {  	_ =	shalt  }
0x69: {  	_ =	shalt  }
0x6a: {  	_ =	shalt  }
0x6b: {  	_ =	shalt  }
0x6c: {  	_ =	shalt  }
0x6d: {  	_ =	shalt  }
0x6e: {  	_ =	shalt  }
0x6f: {  	_ =	shalt  }
0x70: {  	_ =	shalt  }
0x71: {  	_ =	shalt  }
0x72: {  	_ =	shalt  }
0x73: {  	_ =	shalt  }
0x74: {  	_ =	shalt  }
0x75: {  	_ =	shalt  }
0x76: {  	_ =	shalt  }
0x77: {  	_ =	shalt  }
0x78: {  	_ =	shalt  }
0x79: {  	_ =	shalt  }
0x7a: {  	_ =	shalt  }
0x7b: {  	_ =	shalt  }
0x7c: {  	_ =	shalt  }
0x7d: {  	_ =	shalt  }
0x7e: {  	_ =	shalt  }
0x7f: {  	_ =	shalt  }
0x80: {  	_ =	shalt  }
0x81: {  	_ =	shalt  }
0x82: {  	_ =	shalt  }
0x83: {  	_ =	shalt  }
0x84: {  	_ =	shalt  }
0x85: {  	_ =	shalt  }
0x86: {  	_ =	shalt  }
0x87: {  	_ =	shalt  }
.Lfunc_end0:
.L_simem_size_0:
called_computation_lowered:
.L_overlay_start_0:
0x88: {  	s2 =	sld [smem:$0x3FD9]  }
0x89: {  	s3 =	sld [smem:$0x3FFE];
	_ =	sdelay $0x1  }
0x8a: {  	s1 =	srdreg.scid  }
0x8b: {  	s0 =	sand.u32 $0x1, s1  }
0x8c: {  	s14 =	sshll.u32 s0, $0xA;
	s2 =	sadd.s32 s3, s2  }
0x8d: {  	s2 =	sadd.s32 s2, s14  }
0x8e: {  	[smem:$0x3FB1] =	sst s2  }
0x8f: {  	_ = 	snop  }
0x90: {  	s2 =	sld [smem:$0x3FD0];
	_ =	sdelay $0x2  }
0x91: {  	s15 =	simm.s32 $0xA;
	s4 =	simm.s32 $0x10  }
0x92: {  	[smem:s4], [sflag:s15] =	dma.local [hbm:s2], $0x1  }
0x93: {  	_ =	swait.eq [sflag:s15], $0x1  }
0x94: {  	s16 =	sld [smem:$0x10];
	[sflag:s15] =	ssyncset.done $0x0  }
0x95: {  	s17 =	sld [smem:$0x11];
	[sflag:s15] =	ssyncadd.s32 $0xFFFFFFFF  }
0x96: {  	s18 =	sld [smem:$0x12];
	(tm) =	ssettm $0x1  }
0x97: {  	s5 =	sld [smem:$0x3FFB];
	_ =	sdelay $0x3  }
0x98: {  	_ =	strace s5  }
0x99: {  	s5 =	sld [smem:$0x3FFC];
	_ =	sdelay $0x3  }
0x9a: {  	_ =	strace s5  }
0x9b: {  	s5 =	sld [smem:$0x3FFD];
	_ =	sdelay $0x3  }
0x9c: {  	_ =	strace s5  }
0x9d: {  	_ =	strace $0x8FFFFFFF  }
0x9e: {  	s19 =	sld [smem:$0x3FDB];
	_ =	sdelay $0x1  }
0x9f: {  	s6 =	simm.s32 $_scs_section_size  }
0xa0: {  	s7 =	simm.s32 $_size__tile_overlayer_lowered;
	s8 =	simm.s32 $_tile_overlayer_lowered  }
0xa1: {  	s22 =	simm.s32 $0x1BFF;
	s21 =	sshll.u32 s8, $0x1;
	s5 =	sadd.s32 s6, s19  }
0xa2: {  	s9 =	simm.s32 $0x0;
	s20 =	sshll.u32 s7, $0x1;
	s7 =	sadd.s32 s21, s5  }
0xa3: {  	[timem:s9], [sflag:s22] =	dma.local [hbm:s7], s20  }
0xa4: {  	_ =	swait.ge [sflag:s22], s20  }
0xa5: {  	s6 =	ssub.s32 $0x0, s20;
	[sflag:s22] =	ssyncset.done $0x0  }
0xa6: {  	[sflag:s22] =	ssyncadd.s32 s6;
	_ =	sdelay $0x1  }
0xa7: {  	s23 =	simm.s32 $0x1B8B  }
0xa8: {  	_ =	swait.ge [sflag:s23], $0x1  }
0xa9: {  	[sflag:s23] =	ssyncset.done $0x0  }
0xaa: {  	s25 =	simm.s32 $0x1B8E;
	s24 =	sld [smem:$0x3FFE];
	[sflag:s23] =	ssyncadd.s32 $0xFFFFFFFF  }
0xab: {  	s26 =	simm.s32 $execute0_lowered;
	[smem:$0x3FD2] =	sst s25  }
0xac: {  	s7 =	sshll.u32 s26, $0x1;
	_ =	strace $0x80000046;
	[dreg:$0x1] =	wrdreg $0xFFFFFFFF  }
0xad: {  	s28 =	simm.s32 $_size_execute0_lowered;
	s5 =	sadd.s32 s5, s7;
	[dreg:$0x0] =	wrdreg $0x0  }
0xae: {  	s7 =	sshll.u32 s28, $0x1;
	[dreg:$0x2] =	wrdreg s5  }
0xaf: {  	[dreg:$0x3] =	wrdreg s7  }
0xb0: {  	[dreg:$0x4] =	wrdreg $0xC0  }
0xb1: {  	_ =	task [dreg:s9], $0x5FFFF  }
0xb2: {  	[dreg:$0x1] =	wrdreg $0xFFFFFFFF  }
0xb3: {  	[dreg:$0x0] =	wrdreg $0x60  }
0xb4: {  	[dreg:$0x2] =	wrdreg s18  }
0xb5: {  	[dreg:$0x3] =	wrdreg s16  }
0xb6: {  	[dreg:$0x4] =	wrdreg s24  }
0xb7: {  	[dreg:$0x5] =	wrdreg s17  }
0xb8: {  	[dreg:$0x6] =	wrdreg $0x9  }
0xb9: {  	_ =	task.clear_ibuf [dreg:s9], $0x7FFFF;
	_ =	strace $0x90000046  }
0xba: {  	s29 =	simm.s32 $0x9;
	_ =	strace $0x80000048  }
0xbb: {  	_ =	swait.ge [sflag:s29], $0x1  }
0xbc: {  	[sflag:s29] =	ssyncadd.s32 $0xFFFFFFFF  }
0xbd: {  	_ =	strace $0x90000048  }
0xbe: {  	_ =	sfence  }
0xbf: {  	s30 =	sld [smem:$0x0];
	_ =	sdelay $0x2  }
0xc0: {  	s31 =	sshll.u32 s1, $0xD;
	s1 =	sshrl.u32 s1, $0x2  }
0xc1: {  	s3 =	sand.u32 $0x4000, s31;
	s1 =	sadd.s32 s1, s30  }
0xc2: {  	s0 =	sor.u32 s3, s0;
	s1 =	sshll.u32 s1, $0x11  }
0xc3: {  	s0 =	sor.u32 s1, s0  }
0xc4: {  	s0 =	sadd.s32 $0x8F2B, s0  }
0xc5: {  	[sflag:s0] =	ssyncadd.remote.s32 $0x1  }
0xc6: {  	_ =	sfence.sel $0xFFFF  }
0xc7: {  	[dreg:$0x0] =	wrdreg $0xFFFFFFFF;
	(pc) =	sbr.abs _section_cstart, $3  }
0xc8: {  	[dreg:$0x1] =	wrdreg $0xFFFFFFFF  }
0xc9: {  	_ =	task.clear_ibuf [dreg:s9], $0x2FFFF;
	_ =	strace $0x9FFFFFFF  }
0xca: {  	(tm) =	ssettm $0x7FFFFFFF  }
0xcb: {  	_ =	shalt  }
tec
execute0_lowered:
.L_overlay_start_1:
0x0: {  	(tag) =	ssettag $0x1  }
0x1: {  	s1 =	rddreg [dreg:$0x0]  }
0x2: {  	s5 =	rddreg [dreg:$0x1]  }
0x3: {  	s6 =	rddreg [dreg:$0x2]  }
0x4: {  	s7 =	rddreg [dreg:$0x3]  }
0x5: {  	s0 =	rddreg [dreg:$0x4]  }
0x6: {  	s2 =	stileid.u32;
	s4 =	srdreg.scid  }
0x7: {  	s3 =	simm.s32 $0x0;
	s14 =	simm.s32 $0x9000;
	s15 =	simm.s32 $0xA400  }
0x8: {  	s16 =	simm.s32 $0x1;
	s17 =	simm.s32 $0x3;
	s18 =	simm.s32 $0x2  }
0x9: {  	s19 =	simm.s32 $0x4000;
	s20 =	simm.s32 $0x0;
	s8 =	sand.u32 $0x1, s4  }
0xa: {  	s29 =	sshll.u32 s2, $0x1;
	[smem:$0x7FF] =	sst s3;
	s9 =	smul.u32 $0x27100, s2  }
0xb: {  	s10 =	sor.u32 s8, s29;
	s11 =	ssub.s32 $0x2, s8;
	s8 =	smul.u32 $0x13880, s8  }
0xc: {  	s4 =	sadd.s32 $0x4200, s6;
	_ =	strace $0x80000047;
	s12 =	smul.u32 $0x1388, s10  }
0xd: {  	s13 =	sshrl.u32 s11, $0x1;
	s6 =	sadd.s32 s9, s6;
	s10 =	sshll.u32 s10, $0xB  }
0xe: {  	s9 =	simm.s32 $0x4;
	s30 =	ssub.s32 s11, s13;
	s5 =	sadd.s32 s5, s10  }
0xf: {  	s8 =	sadd.s32 s8, s6;
	s10 =	simm.s32 $0x28;
	s11 =	simm.s32 $0x5400  }
0x10: {  	s13 =	simm.s32 $0x7C00;
	s31 =	sshrl.u32 s12, $0x3;
	s8 =	sadd.s32 $0x4800, s8  }
0x11: {  	s12 =	simm.s32 $0x6800;
	s6 =	sadd.s32 s7, s31;
	s7 =	smax.u32 s30, $0x1  }
.LBB2_1:
0x12: {  	[tilespmem:s3], [sflag:$0x4] =	stream.linear.gather [hbm4b:s5+s3], $0x3E80, $0x38;
	[tilespmem:$0xB800] =	vst v63  }
0x13: {  	_ =	swait.ge [sflag:s9], $0x3E80  }
0x14: {  	[sflag:s9] =	ssyncset.done $0x0  }
0x15: {  	[sflag:s9] =	ssyncadd.s32 $0xFFFFC180  }
0x16: {  	[tilespmem:s11], [sflag:$0x1] =	stream.indirect.gather [hbm4b:s1+s10], $0x80, s3, s10, $0xb8;
	[tilespmem:$0xB800] =	vst v63  }
0x17: {  	s21 =	simm.s32 $0x80  }
0x18: {  	[tilespmem:s12], [sflag:$0x1] =	stream.indirect.gather [hbm4b:s1+s10], $0x80, s21, s10, $0xb8;
	[tilespmem:$0xB800] =	vst v63  }
0x19: {  	s22 =	simm.s32 $0x100  }
0x1a: {  	[tilespmem:s13], [sflag:$0x1] =	stream.indirect.gather [hbm4b:s1+s10], $0x80, s22, s10, $0xb8;
	[tilespmem:$0xB800] =	vst v63  }
0x1b: {  	s23 =	simm.s32 $0x180  }
0x1c: {  	[tilespmem:s14], [sflag:$0x1] =	stream.indirect.gather [hbm4b:s1+s10], $0x80, s23, s10, $0xb8;
	[tilespmem:$0xB800] =	vst v63  }
0x1d: {  	s24 =	simm.s32 $0x200  }
0x1e: {  	[tilespmem:s15], [sflag:$0x1] =	stream.indirect.gather [hbm4b:s1+s10], $0x80, s24, s10, $0xb8;
	[tilespmem:$0xB800] =	vst v63  }
0x1f: {  	s25 =	simm.s32 $0x4000  }
0x20: {  	[tilespmem:s25], [sflag:$0x3] =	stream.indirect.gather [hbm4b:s4+s10], $0x1, s3, s10, $0xb8;
	[tilespmem:$0xB800] =	vst v63  }
0x21: {  	s30 =	simm.s32 $0x4028  }
0x22: {  	[tilespmem:s30], [sflag:$0x3] =	stream.indirect.gather [hbm4b:s4+s10], $0x1, s21, s10, $0xb8;
	[tilespmem:$0xB800] =	vst v63  }
0x23: {  	s31 =	simm.s32 $0x4050  }
0x24: {  	[tilespmem:s31], [sflag:$0x3] =	stream.indirect.gather [hbm4b:s4+s10], $0x1, s22, s10, $0xb8;
	[tilespmem:$0xB800] =	vst v63  }
0x25: {  	s25 =	simm.s32 $0x4078  }
0x26: {  	[tilespmem:s25], [sflag:$0x3] =	stream.indirect.gather [hbm4b:s4+s10], $0x1, s23, s10, $0xb8;
	[tilespmem:$0xB800] =	vst v63  }
0x27: {  	s26 =	simm.s32 $0x40A0  }
0x28: {  	[tilespmem:s26], [sflag:$0x3] =	stream.indirect.gather [hbm4b:s4+s10], $0x1, s24, s10, $0xb8;
	[tilespmem:$0xB800] =	vst v63  }
0x29: {  	_ =	swait.ge [sflag:s16], $0x1400  }
0x2a: {  	[sflag:s16] =	ssyncset.done $0x0  }
0x2b: {  	[sflag:s16] =	ssyncadd.s32 $0xFFFFEC00  }
0x2c: {  	[hbm4b:s8+s3] =	stream.linear.scatter [tilespmem:s11], [sflag:$0x2], $0x1400, $0x38;
	[tilespmem:$0xB800] =	vst v63  }
0x2d: {  	_ =	swait.ge [sflag:s16], $0x1400  }
0x2e: {  	[sflag:s16] =	ssyncset.done $0x0  }
0x2f: {  	s28 =	sadd.s32 $0x280, s8;
	[sflag:s16] =	ssyncadd.s32 $0xFFFFEC00  }
0x30: {  	[hbm4b:s28+s3] =	stream.linear.scatter [tilespmem:s12], [sflag:$0x2], $0x1400, $0x38;
	[tilespmem:$0xB800] =	vst v63  }
0x31: {  	_ =	swait.ge [sflag:s16], $0x1400  }
0x32: {  	[sflag:s16] =	ssyncset.done $0x0  }
0x33: {  	s29 =	sadd.s32 $0x500, s8;
	[sflag:s16] =	ssyncadd.s32 $0xFFFFEC00  }
0x34: {  	[hbm4b:s29+s3] =	stream.linear.scatter [tilespmem:s13], [sflag:$0x2], $0x1400, $0x38;
	[tilespmem:$0xB800] =	vst v63  }
0x35: {  	_ =	swait.ge [sflag:s16], $0x1400  }
0x36: {  	[sflag:s16] =	ssyncset.done $0x0  }
0x37: {  	s30 =	sadd.s32 $0x780, s8;
	[sflag:s16] =	ssyncadd.s32 $0xFFFFEC00  }
0x38: {  	[hbm4b:s30+s3] =	stream.linear.scatter [tilespmem:s14], [sflag:$0x2], $0x1400, $0x38;
	[tilespmem:$0xB800] =	vst v63  }
0x39: {  	_ =	swait.ge [sflag:s16], $0x1400  }
0x3a: {  	[sflag:s16] =	ssyncset.done $0x0  }
0x3b: {  	s31 =	sadd.s32 $0xA00, s8;
	[sflag:s16] =	ssyncadd.s32 $0xFFFFEC00  }
0x3c: {  	[hbm4b:s31+s3] =	stream.linear.scatter [tilespmem:s15], [sflag:$0x2], $0x1400, $0x38;
	[tilespmem:$0xB800] =	vst v63  }
0x3d: {  	_ =	swait.ge [sflag:s17], $0x28  }
0x3e: {  	[sflag:s17] =	ssyncset.done $0x0  }
0x3f: {  	[sflag:s17] =	ssyncadd.s32 $0xFFFFFFD8  }
0x40: {  	_ =	swait.ge [sflag:s17], $0x28  }
0x41: {  	[sflag:s17] =	ssyncset.done $0x0  }
0x42: {  	[sflag:s17] =	ssyncadd.s32 $0xFFFFFFD8  }
0x43: {  	_ =	swait.ge [sflag:s17], $0x28  }
0x44: {  	[sflag:s17] =	ssyncset.done $0x0  }
0x45: {  	[sflag:s17] =	ssyncadd.s32 $0xFFFFFFD8  }
0x46: {  	_ =	swait.ge [sflag:s17], $0x28  }
0x47: {  	[sflag:s17] =	ssyncset.done $0x0  }
0x48: {  	[sflag:s17] =	ssyncadd.s32 $0xFFFFFFD8  }
0x49: {  	_ =	swait.ge [sflag:s17], $0x28  }
0x4a: {  	[sflag:s17] =	ssyncset.done $0x0  }
0x4b: {  	[sflag:s17] =	ssyncadd.s32 $0xFFFFFFD8  }
0x4c: {  	_ =	swait.ge [sflag:s18], $0x1400  }
0x4d: {  	[sflag:s18] =	ssyncset.done $0x0  }
0x4e: {  	[sflag:s18] =	ssyncadd.s32 $0xFFFFEC00  }
0x4f: {  	_ =	swait.ge [sflag:s18], $0x1400  }
0x50: {  	[sflag:s18] =	ssyncset.done $0x0  }
0x51: {  	[sflag:s18] =	ssyncadd.s32 $0xFFFFEC00  }
0x52: {  	_ =	swait.ge [sflag:s18], $0x1400  }
0x53: {  	[sflag:s18] =	ssyncset.done $0x0  }
0x54: {  	[sflag:s18] =	ssyncadd.s32 $0xFFFFEC00  }
0x55: {  	_ =	swait.ge [sflag:s18], $0x1400  }
0x56: {  	[sflag:s18] =	ssyncset.done $0x0  }
0x57: {  	[sflag:s18] =	ssyncadd.s32 $0xFFFFEC00  }
0x58: {  	s21 =	simm.s32 $0x320;
	_ =	swait.ge [sflag:s18], $0x1400  }
0x59: {  	s22 =	smov.u32 s8;
	s23 =	simm.s32 $0x0;
	[sflag:s18] =	ssyncset.done $0x0  }
.LBB2_2:
0x5a: {  	[sflag:s18] =	ssyncadd.s32 $0xFFFFEC00  }
0x5b: {  	s22 =	sadd.s32 $0xC80, s22;
	s23 =	sadd.s32 $0x280, s23;
	s24 =	smov.u32 s21  }
0x5c: {  	[tilespmem:s11], [sflag:$0x1] =	stream.indirect.gather [hbm4b:s1+s10], $0x80, s23, s10, $0xb8;
	[tilespmem:$0xB800] =	vst v63  }
0x5d: {  	p0 =	sne.s32 s21, $0x4B00;
	s21 =	sadd.s32 $0x320, s21;
	s25 =	sadd.s32 $0x80, s23  }
0x5e: {  	[tilespmem:s12], [sflag:$0x1] =	stream.indirect.gather [hbm4b:s1+s10], $0x80, s25, s10, $0xb8;
	[tilespmem:$0xB800] =	vst v63  }
0x5f: {  	s26 =	sadd.s32 $0x100, s23  }
0x60: {  	[tilespmem:s13], [sflag:$0x1] =	stream.indirect.gather [hbm4b:s1+s10], $0x80, s26, s10, $0xb8;
	[tilespmem:$0xB800] =	vst v63  }
0x61: {  	s28 =	sadd.s32 $0x180, s23  }
0x62: {  	[tilespmem:s14], [sflag:$0x1] =	stream.indirect.gather [hbm4b:s1+s10], $0x80, s28, s10, $0xb8;
	[tilespmem:$0xB800] =	vst v63  }
0x63: {  	s29 =	sadd.s32 $0x200, s23;
	s24 =	sshra.s32 s24, $0x2  }
0x64: {  	[tilespmem:s15], [sflag:$0x1] =	stream.indirect.gather [hbm4b:s1+s10], $0x80, s29, s10, $0xb8;
	[tilespmem:$0xB800] =	vst v63  }
0x65: {  	s30 =	sadd.s32 $0x4000, s24  }
0x66: {  	[tilespmem:s30], [sflag:$0x3] =	stream.indirect.gather [hbm4b:s4+s10], $0x1, s23, s10, $0xb8;
	[tilespmem:$0xB800] =	vst v63  }
0x67: {  	s30 =	sadd.s32 $0x4028, s24  }
0x68: {  	[tilespmem:s30], [sflag:$0x3] =	stream.indirect.gather [hbm4b:s4+s10], $0x1, s25, s10, $0xb8;
	[tilespmem:$0xB800] =	vst v63  }
0x69: {  	s25 =	sadd.s32 $0x4050, s24  }
0x6a: {  	[tilespmem:s25], [sflag:$0x3] =	stream.indirect.gather [hbm4b:s4+s10], $0x1, s26, s10, $0xb8;
	[tilespmem:$0xB800] =	vst v63  }
0x6b: {  	s25 =	sadd.s32 $0x4078, s24  }
0x6c: {  	[tilespmem:s25], [sflag:$0x3] =	stream.indirect.gather [hbm4b:s4+s10], $0x1, s28, s10, $0xb8;
	[tilespmem:$0xB800] =	vst v63  }
0x6d: {  	s24 =	sadd.s32 $0x40A0, s24  }
0x6e: {  	[tilespmem:s24], [sflag:$0x3] =	stream.indirect.gather [hbm4b:s4+s10], $0x1, s29, s10, $0xb8;
	[tilespmem:$0xB800] =	vst v63  }
0x6f: {  	_ =	swait.ge [sflag:s16], $0x1400  }
0x70: {  	[sflag:s16] =	ssyncset.done $0x0  }
0x71: {  	[sflag:s16] =	ssyncadd.s32 $0xFFFFEC00  }
0x72: {  	[hbm4b:s22+s3] =	stream.linear.scatter [tilespmem:s11], [sflag:$0x2], $0x1400, $0x38;
	[tilespmem:$0xB800] =	vst v63  }
0x73: {  	_ =	swait.ge [sflag:s16], $0x1400  }
0x74: {  	[sflag:s16] =	ssyncset.done $0x0  }
0x75: {  	s24 =	sadd.s32 $0x280, s22;
	[sflag:s16] =	ssyncadd.s32 $0xFFFFEC00  }
0x76: {  	[hbm4b:s24+s3] =	stream.linear.scatter [tilespmem:s12], [sflag:$0x2], $0x1400, $0x38;
	[tilespmem:$0xB800] =	vst v63  }
0x77: {  	_ =	swait.ge [sflag:s16], $0x1400  }
0x78: {  	[sflag:s16] =	ssyncset.done $0x0  }
0x79: {  	s24 =	sadd.s32 $0x500, s22;
	[sflag:s16] =	ssyncadd.s32 $0xFFFFEC00  }
0x7a: {  	[hbm4b:s24+s3] =	stream.linear.scatter [tilespmem:s13], [sflag:$0x2], $0x1400, $0x38;
	[tilespmem:$0xB800] =	vst v63  }
0x7b: {  	_ =	swait.ge [sflag:s16], $0x1400  }
0x7c: {  	[sflag:s16] =	ssyncset.done $0x0  }
0x7d: {  	s24 =	sadd.s32 $0x780, s22;
	[sflag:s16] =	ssyncadd.s32 $0xFFFFEC00  }
0x7e: {  	[hbm4b:s24+s3] =	stream.linear.scatter [tilespmem:s14], [sflag:$0x2], $0x1400, $0x38;
	[tilespmem:$0xB800] =	vst v63  }
0x7f: {  	_ =	swait.ge [sflag:s16], $0x1400  }
0x80: {  	[sflag:s16] =	ssyncset.done $0x0  }
0x81: {  	s24 =	sadd.s32 $0xA00, s22;
	[sflag:s16] =	ssyncadd.s32 $0xFFFFEC00  }
0x82: {  	[hbm4b:s24+s3] =	stream.linear.scatter [tilespmem:s15], [sflag:$0x2], $0x1400, $0x38;
	[tilespmem:$0xB800] =	vst v63  }
0x83: {  	_ =	swait.ge [sflag:s17], $0x28  }
0x84: {  	[sflag:s17] =	ssyncset.done $0x0  }
0x85: {  	[sflag:s17] =	ssyncadd.s32 $0xFFFFFFD8  }
0x86: {  	_ =	swait.ge [sflag:s17], $0x28  }
0x87: {  	[sflag:s17] =	ssyncset.done $0x0  }
0x88: {  	[sflag:s17] =	ssyncadd.s32 $0xFFFFFFD8  }
0x89: {  	_ =	swait.ge [sflag:s17], $0x28  }
0x8a: {  	[sflag:s17] =	ssyncset.done $0x0  }
0x8b: {  	[sflag:s17] =	ssyncadd.s32 $0xFFFFFFD8  }
0x8c: {  	_ =	swait.ge [sflag:s17], $0x28  }
0x8d: {  	[sflag:s17] =	ssyncset.done $0x0  }
0x8e: {  	[sflag:s17] =	ssyncadd.s32 $0xFFFFFFD8  }
0x8f: {  	_ =	swait.ge [sflag:s17], $0x28  }
0x90: {  	[sflag:s17] =	ssyncset.done $0x0  }
0x91: {  	[sflag:s17] =	ssyncadd.s32 $0xFFFFFFD8  }
0x92: {  	_ =	swait.ge [sflag:s18], $0x1400  }
0x93: {  	[sflag:s18] =	ssyncset.done $0x0  }
0x94: {  	[sflag:s18] =	ssyncadd.s32 $0xFFFFEC00  }
0x95: {  	_ =	swait.ge [sflag:s18], $0x1400  }
0x96: {  	[sflag:s18] =	ssyncset.done $0x0  }
0x97: {  	[sflag:s18] =	ssyncadd.s32 $0xFFFFEC00  }
0x98: {  	_ =	swait.ge [sflag:s18], $0x1400  }
0x99: {  	[sflag:s18] =	ssyncset.done $0x0  }
0x9a: {  	[sflag:s18] =	ssyncadd.s32 $0xFFFFEC00  }
.Ltmp0:
0x9b: {  	_ =	swait.ge [sflag:s18], $0x1400;
	(pc) =	sbr.rel @p0 .LBB2_2-.Ltmp0, $4  }
0x9c: {  	[sflag:s18] =	ssyncset.done $0x0  }
0x9d: {  	[sflag:s18] =	ssyncadd.s32 $0xFFFFEC00  }
0x9e: {  	_ =	swait.ge [sflag:s18], $0x1400  }
0x9f: {  	[sflag:s18] =	ssyncset.done $0x0  }
0xa0: {  	s20 =	sadd.s32 $0x1, s20  }
0xa1: {  	p0 =	sne.s32 s20, s7  }
.Ltmp1:
0xa2: {  	[sflag:s18] =	ssyncadd.s32 $0xFFFFEC00;
	(pc) =	sbr.rel @p0 .LBB2_1-.Ltmp1, $4  }
0xa3: {  	[hbm4b:s6+s3] =	stream.linear.scatter [tilespmem:s19], [sflag:$0x4], $0x1388, $0x38;
	[tilespmem:$0xB800] =	vst v63  }
0xa4: {  	_ =	swait.ge [sflag:s9], $0x1388  }
0xa5: {  	[sflag:s9] =	ssyncset.done $0x0  }
0xa6: {  	[sflag:s9] =	ssyncadd.s32 $0xFFFFEC78  }
0xa7: {  	_ =	sfence.sel $0x180000  }
0xa8: {  	[bflag:$0x0] =	sbarrier.arrive $0xFFFF  }
0xa9: {  	p0 =	sne.s32 s2, $0x0;
	_ =	strace $0x90000047  }
0xaa: {  	s0 =	sadd.s32 @!p0 $0x100000, s0;
	[bflag:$0x2] =	sbarrier.arrive $0xFFFF  }
0xab: {  	[sflag:s0] =	ssyncadd.tile.s32 @!p0 $0x1;
	_ =	shalt  }
.Lfunc_end2:
_tile_overlayer_lowered:
.L_overlay_start_2:
0xac: {  	(tag) =	ssettag $0x2  }
0xad: {  	s0 =	rddreg [dreg:$0x0];
	s2 =	stileid.u32  }
0xae: {  	s1 =	rddreg [dreg:$0x1];
	p0 =	sne.s32 s2, $0x0  }
0xaf: {  	s3 =	rddreg [dreg:$0x2];
	[bflag:$0x3] =	sbarrier.arrive $0xFFFF;
	s2 =	simm.s32 @!p0 $0x1C04  }
0xb0: {  	[timem:s3], [sflag:s2] =	dma.local @!p0 [hbm:s0], s1  }
0xb1: {  	s0 =	simm.s32 @!p0 $0x4  }
0xb2: {  	_ =	swait.ge @!p0 [sflag:s0], s1  }
0xb3: {  	s1 =	ssub.s32 @!p0 $0x0, s1;
	[sflag:s0] =	ssyncset.done @!p0 $0x0  }
0xb4: {  	[sflag:s0] =	ssyncadd.s32 @!p0 s1  }
0xb5: {  	[bflag:$0x3] =	sbarrier.arrive $0xFFFF  }
0xb6: {  	_ =	shalt  }

</sc_bundles>
